<compile_context>
chip_gen: v7x
topology: tpu7x:2x2x1
jax: 0.10.2.dev20260603
libtpu: 0.0.44.dev20260713+nightly
codegen_flags: <defaults>
</compile_context>

<pallas_src>
import functools

import jax
import jax.numpy as jnp
from jax import lax
from jax.experimental import pallas as pl
from jax.experimental.pallas import tpu as pltpu
from jax.experimental.pallas import tpu_sc as plsc

DIM = 512
KQ = 48000
TEMP = 0.007
TOPN = 32
RANK_K = 4
BSRC = 64
BTGT = 256
KB = 3200
NB = KQ // KB
CHUNK = 128
CPB = KB // CHUNK
NCH = KQ // CHUNK
NCHP = NB * 128
NW = 32
RPW = BTGT // NW
NEG = float("-inf")


def _sim_body(tcat_ref, q_ref, srcpad_ref, sim_ref, logz_ref, cmax_ref,
              tnorm_ref, m_ref, s_ref):
    j = pl.program_id(0)

    @pl.when(j == 0)
    def _init():
        x = tcat_ref[...]
        n = jnp.sqrt(jnp.sum(x * x, axis=1, keepdims=True)) + 1e-12
        tnorm_ref[...] = x / n
        m_ref[...] = jnp.full_like(m_ref, NEG)
        s_ref[...] = jnp.zeros_like(s_ref)

    rows = lax.broadcasted_iota(jnp.int32, (KB, 1), 0) + j * KB
    q = jnp.where(rows < BSRC, srcpad_ref[...], q_ref[...])
    qn = q / (jnp.sqrt(jnp.sum(q * q, axis=1, keepdims=True)) + 1e-12)
    sim = lax.dot_general(tnorm_ref[...], qn, (((1,), (1,)), ((), ())),
                          preferred_element_type=jnp.float32,
                          precision=None)
    for c in range(CPB):
        sim_ref[pl.ds(c * 2 * BTGT, 2 * BTGT), :] = sim[:, c * CHUNK:(c + 1) * CHUNK]
    s1 = sim[:BTGT]
    cm = jnp.max(s1.reshape(BTGT, CPB, CHUNK), axis=-1)
    cmax_ref[...] = jnp.concatenate(
        [cm, jnp.full((BTGT, 128 - CPB), NEG, jnp.float32)], axis=1)
    bm = jnp.max(s1, axis=1, keepdims=True)
    m_old = m_ref[:, :1]
    s_old = s_ref[:, :1]
    m_new = jnp.maximum(m_old, bm)
    s_new = (s_old * jnp.exp((m_old - m_new) / TEMP)
             + jnp.sum(jnp.exp((s1 - m_new) / TEMP), axis=1)[:, None])
    m_ref[:, :1] = m_new
    s_ref[:, :1] = s_new

    @pl.when(j == NB - 1)
    def _fin():
        logz = m_ref[:, :1] / TEMP + jnp.log(s_ref[:, :1])
        logz_ref[...] = logz * jnp.ones((1, 128), jnp.float32)


def _sim_stage(tcat, queue, srcpad):
    return pl.pallas_call(
        _sim_body,
        grid=(NB,),
        in_specs=[
            pl.BlockSpec((2 * BTGT, DIM), lambda j: (0, 0)),
            pl.BlockSpec((KB, DIM), lambda j: (j, 0)),
            pl.BlockSpec((KB, DIM), lambda j: (0, 0)),
        ],
        out_specs=[
            pl.BlockSpec((CPB * 2 * BTGT, CHUNK), lambda j: (j, 0)),
            pl.BlockSpec((BTGT, 128), lambda j: (0, 0)),
            pl.BlockSpec((BTGT, 128), lambda j: (0, j)),
        ],
        out_shape=[
            jax.ShapeDtypeStruct((NCH * 2 * BTGT, CHUNK), jnp.float32),
            jax.ShapeDtypeStruct((BTGT, 128), jnp.float32),
            jax.ShapeDtypeStruct((BTGT, NCHP), jnp.float32),
        ],
        scratch_shapes=[
            pltpu.VMEM((2 * BTGT, DIM), jnp.float32),
            pltpu.VMEM((BTGT, 128), jnp.float32),
            pltpu.VMEM((BTGT, 128), jnp.float32),
        ],
        compiler_params=pltpu.CompilerParams(
            dimension_semantics=("arbitrary",),
            vmem_limit_bytes=100 * 1024 * 1024,
        ),
    )(tcat, queue, srcpad)


def _lane16():
    return lax.broadcasted_iota(jnp.int32, (16,), 0)


def _argmax_lane(vec, m):
    return jnp.min(jnp.where(vec == m, _lane16(), 99))


def _sstore(ref, idx, val):
    plsc.store_scatter(ref, [jnp.full((16,), idx, jnp.int32)],
                       jnp.full((16,), val, ref.dtype), mask=_lane16() == 0)


def _sstore2(ref, i0, i1, val):
    plsc.store_scatter(ref, [jnp.full((16,), i0, jnp.int32),
                             jnp.full((16,), i1, jnp.int32)],
                       jnp.full((16,), val, ref.dtype), mask=_lane16() == 0)


def _sload(ref, idx):
    return plsc.load_gather(ref, [jnp.full((16,), idx, jnp.int32)])[0]


def _sc_body(sim3, cmax, logz, labs3, tlpad, out_loss, out_corr,
             cmaxbuf, pm, topcm, topchunk, topv, topg, slot32, lane32,
             idx1, idx0, g1, g0, logzbuf, tlbuf, chunk1, lane1, labchunks,
             stage_f, stage_i, sem, sem2):
    cid = lax.axis_index("c")
    sid = lax.axis_index("s")
    wid = sid * 2 + cid
    r0 = wid * RPW

    pltpu.sync_copy(logz.at[pl.ds(r0, RPW)], logzbuf)
    pltpu.sync_copy(tlpad.at[pl.ds(r0, 16)], tlbuf)
    pltpu.sync_copy(cmax.at[pl.ds(r0, RPW)], cmaxbuf)

    def row_body(i, loss_acc):
        r = r0 + i

        pm[pl.ds(112, 16)] = jnp.full((16,), NEG, jnp.float32)

        def pm_body(jj, c):
            _sstore(pm, jj, jnp.max(cmaxbuf[i, pl.ds(jj * 16, 16)]))
            return c

        lax.fori_loop(0, NCHP // 16, pm_body, 0)

        def pick_chunk(i2, c):
            best = jnp.float32(NEG)
            bj = jnp.int32(0)
            for jj in range(8):
                v = jnp.max(pm[pl.ds(jj * 16, 16)])
                upd = v > best
                best = jnp.where(upd, v, best)
                bj = jnp.where(upd, jj, bj)
            grp = bj * 16 + _argmax_lane(pm[pl.ds(bj * 16, 16)], best)
            cvec = cmaxbuf[i, pl.ds(grp * 16, 16)]
            lane = _argmax_lane(cvec, best)
            pos = grp * 16 + lane
            gch = (pos // 128) * CPB + (pos % 128)
            _sstore(topcm, i2, best)
            _sstore(topchunk, i2, gch)
            _sstore2(cmaxbuf, i, pos, jnp.float32(NEG))
            _sstore(pm, grp, jnp.max(cmaxbuf[i, pl.ds(grp * 16, 16)]))
            return c

        lax.fori_loop(0, TOPN, pick_chunk, 0)

        ch0 = topchunk[pl.ds(0, 16)]
        ch1 = topchunk[pl.ds(16, 16)]
        idx1[pl.ds(0, 16)] = ch0 * (2 * BTGT) + r
        idx1[pl.ds(16, 16)] = ch1 * (2 * BTGT) + r
        idx0[pl.ds(0, 16)] = ch0 * (2 * BTGT) + BTGT + r
        idx0[pl.ds(16, 16)] = ch1 * (2 * BTGT) + BTGT + r
        cpy1 = pltpu.async_copy(sim3.at[idx1], g1, sem)
        cpy0 = pltpu.async_copy(sim3.at[idx0], g0, sem2)
        cpy1.wait()

        def pick_val(i2, c):
            best = jnp.float32(NEG)
            bk16 = jnp.int32(0)
            for kk in range(2):
                v = jnp.max(topcm[pl.ds(kk * 16, 16)])
                upd = v > best
                best = jnp.where(upd, v, best)
                bk16 = jnp.where(upd, kk, bk16)
            k = bk16 * 16 + _argmax_lane(topcm[pl.ds(bk16 * 16, 16)], best)
            bv = jnp.int32(0)
            bl = jnp.int32(99)
            for vv in range(8):
                lv = _argmax_lane(g1[k, pl.ds(vv * 16, 16)], best)
                hit = (bl == 99) & (lv < 99)
                bv = jnp.where(hit, vv, bv)
                bl = jnp.where(hit, lv, bl)
            lane = bv * 16 + bl
            _sstore(topv, i2, best)
            _sstore(topg, i2, _sload(topchunk, k) * CHUNK + lane)
            _sstore(slot32, i2, k)
            _sstore(lane32, i2, lane)
            _sstore2(g1, k, lane, jnp.float32(NEG))
            m0 = jnp.float32(NEG)
            for vv in range(8):
                m0 = jnp.maximum(m0, jnp.max(g1[k, pl.ds(vv * 16, 16)]))
            _sstore(topcm, k, m0)
            return c

        lax.fori_loop(0, TOPN, pick_val, 0)

        cpy0.wait()
        c0_lo = plsc.load_gather(g0, [slot32[pl.ds(0, 16)],
                                      lane32[pl.ds(0, 16)]])
        c0_hi = plsc.load_gather(g0, [slot32[pl.ds(16, 16)],
                                      lane32[pl.ds(16, 16)]])
        r_lo = topv[pl.ds(0, 16)] + c0_lo
        r_hi = topv[pl.ds(16, 16)] + c0_hi
        vsum = jnp.float32(0.0)
        slot_best = jnp.int32(0)
        for t in range(RANK_K):
            m_lo = jnp.max(r_lo)
            m_hi = jnp.max(r_hi)
            m = jnp.maximum(m_lo, m_hi)
            in_lo = m_lo >= m_hi
            l_lo = _argmax_lane(r_lo, m)
            l_hi = _argmax_lane(r_hi, m)
            slot = jnp.where(in_lo, l_lo, 16 + l_hi)
            vsum = vsum + _sload(topv, slot)
            if t == 0:
                slot_best = slot
            r_lo = jnp.where(in_lo & (_lane16() == l_lo), NEG, r_lo)
            r_hi = jnp.where((~in_lo) & (_lane16() == l_hi), NEG, r_hi)
        gbest = _sload(topg, slot_best)
        _sstore(chunk1, i, gbest // CHUNK)
        _sstore(lane1, i, gbest % CHUNK)
        return (loss_acc + vsum * (1.0 / TEMP)
                - RANK_K * logzbuf[i, pl.ds(0, 16)][0])

    loss_acc = lax.fori_loop(0, RPW, row_body, jnp.float32(0.0))

    pltpu.async_copy(labs3.at[chunk1], labchunks, sem).wait()

    def corr_body(i, c):
        lv = plsc.load_gather(lane1, [jnp.full((16,), i, jnp.int32)])
        lab = plsc.load_gather(labchunks,
                               [jnp.full((16,), i, jnp.int32), lv])[0]
        return c + jnp.where(lab == _sload(tlbuf, i), 1, 0)

    corr = lax.fori_loop(0, RPW, corr_body, jnp.int32(0))

    stage_f[...] = jnp.full((16,), loss_acc, jnp.float32)
    stage_i[...] = jnp.full((16,), corr, jnp.int32)
    pltpu.sync_copy(stage_f, out_loss.at[wid])
    pltpu.sync_copy(stage_i, out_corr.at[wid])


def _sparse_stage(sim3, cmax, logz, labs3, tlpad):
    mesh = plsc.VectorSubcoreMesh(core_axis_name="c", subcore_axis_name="s")
    f = functools.partial(
        pl.kernel,
        out_type=[
            jax.ShapeDtypeStruct((NW, 16), jnp.float32),
            jax.ShapeDtypeStruct((NW, 16), jnp.int32),
        ],
        mesh=mesh,
        scratch_types=[
            pltpu.VMEM((RPW, NCHP), jnp.float32),
            pltpu.VMEM((128,), jnp.float32),
            pltpu.VMEM((TOPN,), jnp.float32),
            pltpu.VMEM((TOPN,), jnp.int32),
            pltpu.VMEM((TOPN,), jnp.float32),
            pltpu.VMEM((TOPN,), jnp.int32),
            pltpu.VMEM((TOPN,), jnp.int32),
            pltpu.VMEM((TOPN,), jnp.int32),
            pltpu.VMEM((TOPN,), jnp.int32),
            pltpu.VMEM((TOPN,), jnp.int32),
            pltpu.VMEM((TOPN, CHUNK), jnp.float32),
            pltpu.VMEM((TOPN, CHUNK), jnp.float32),
            pltpu.VMEM((RPW, 128), jnp.float32),
            pltpu.VMEM((16,), jnp.int32),
            pltpu.VMEM((RPW,), jnp.int32),
            pltpu.VMEM((RPW,), jnp.int32),
            pltpu.VMEM((RPW, CHUNK), jnp.int32),
            pltpu.VMEM((16,), jnp.float32),
            pltpu.VMEM((16,), jnp.int32),
            pltpu.SemaphoreType.DMA,
            pltpu.SemaphoreType.DMA,
        ],
        compiler_params=pltpu.CompilerParams(needs_layout_passes=False),
    )(_sc_body)
    return f(sim3, cmax, logz, labs3, tlpad)


def kernel(features, target_fearures_0, source_labels, target_labels,
           queue, queue_labels):
    tcat = jnp.concatenate([features[BSRC:], target_fearures_0], axis=0)
    srcpad = jnp.zeros((KB, DIM), jnp.float32).at[:BSRC].set(features[:BSRC])
    sim3, logz, cmax = _sim_stage(tcat, queue, srcpad)
    labs3 = queue_labels.at[:BSRC].set(source_labels).reshape(NCH, CHUNK)
    tlpad = jnp.pad(target_labels, (0, 16))
    out_loss, out_corr = _sparse_stage(sim3, cmax, logz, labs3, tlpad)
    sim_loss = -jnp.sum(out_loss[:, 0]) / (BTGT * RANK_K)
    num_correct = jnp.sum(out_corr[:, 0]).astype(jnp.int64)
    return (sim_loss, num_correct)

# --- scband reference (transcript-rebuilt; emitter-appended) ---
"""Pipeline reference for scband-memory-module-18322330485480 (READ-ONLY COPY).

The authoritative reference and input builder live on the scoring server;
editing this copy changes nothing except your own understanding.
"""

import jax, jax.numpy as jnp
import numpy as np

DIM = 512
K = 48000
T = 0.007
TOP_RANKED_N = 32
RANKING_K = 4
NUM_CLASSES = 31
B_SRC = 64
B_TGT = 256


def _l2norm(x):
    return x / (jnp.linalg.norm(x, axis=-1, keepdims=True) + 1e-12)


def _msc_loss(queue, queue_labels, tgt_feat, tgt_feat0, tgt_labels):
    # cosine similarity between target features (two views) and memory queue
    qn = _l2norm(queue)
    t = _l2norm(tgt_feat)
    t0 = _l2norm(tgt_feat0)
    sim = t @ qn.T            # [B_tgt, K]
    sim0 = t0 @ qn.T          # [B_tgt, K]
    # stage 1: top_ranked_n candidate neighbors from view 1
    top_vals, top_idx = jax.lax.top_k(sim, TOP_RANKED_N)
    # stage 2: 'ranking' knn_method -- re-rank candidates using agreement of both views
    cand0 = jnp.take_along_axis(sim0, top_idx, axis=1)
    rank_scores = top_vals + cand0
    _, rk_order = jax.lax.top_k(rank_scores, RANKING_K)
    knn_idx = jnp.take_along_axis(top_idx, rk_order, axis=1)   # [B_tgt, ranking_k]
    knn_labels = queue_labels[knn_idx]
    # softmax contrastive loss over full queue with temperature T;
    # positives are the ranking_k re-ranked neighbors
    logits = sim / T
    logZ = jax.scipy.special.logsumexp(logits, axis=1, keepdims=True)
    log_prob = logits - logZ
    pos_logprob = jnp.take_along_axis(log_prob, knn_idx, axis=1)
    sim_loss = -jnp.mean(pos_logprob)
    # pseudo-label accuracy: label of top re-ranked neighbor vs target label
    pred = knn_labels[:, 0]
    num_correct = jnp.sum((pred == tgt_labels).astype(jnp.int64))
    return sim_loss, num_correct


def setup_inputs(seed: int = 0) -> dict:
    key = jax.random.key(seed)
    k1, k2, k3, k4, k5, k6 = jax.random.split(key, 6)
    features = jax.random.normal(k1, (B_SRC + B_TGT, DIM), dtype=jnp.float32)
    target_fearures_0 = jax.random.normal(k2, (B_TGT, DIM), dtype=jnp.float32)
    source_labels = jax.random.randint(k3, (B_SRC,), 0, NUM_CLASSES, dtype=jnp.int64)
    target_labels = jax.random.randint(k4, (B_TGT,), 0, NUM_CLASSES, dtype=jnp.int64)
    # non-trainable buffers (nn.Parameter, requires_grad=False)
    queue = jax.random.normal(k5, (K, DIM), dtype=jnp.float32)
    queue_labels = jax.random.randint(k6, (K,), 0, NUM_CLASSES, dtype=jnp.int64)
    return {
        'features': features,
        'target_fearures_0': target_fearures_0,
        'source_labels': source_labels,
        'target_labels': target_labels,
        'queue': queue,
        'queue_labels': queue_labels,
    }


def reference(features, target_fearures_0, source_labels, target_labels, queue, queue_labels):
    bs = source_labels.shape[0]
    source_features = features[:bs]
    target_features = features[bs:]
    # _dequeue_and_enqueue with ptr = 0 (initial state), detached keys
    keys = jax.lax.stop_gradient(source_features)
    queue = jax.lax.dynamic_update_slice(queue, keys, (0, 0))
    queue_labels = jax.lax.dynamic_update_slice(queue_labels, source_labels, (0,))
    sim_loss, num_correct = _msc_loss(queue, queue_labels, target_features, target_fearures_0, target_labels)
    return (sim_loss, num_correct)

if __name__ == "__main__":
    import jax
    _d = setup_inputs()
    print(jax.jit(kernel)(*tuple(_d.values())))

</pallas_src>

<mosaic_0001>
#map = affine_map<(d0, d1) -> (0, 0)>
#map1 = affine_map<(d0, d1) -> (0)>
module attributes {stable_mosaic.version = 14 : i64} {
  func.func @_sc_body(%arg0: i32, %arg1: i32, %arg2: memref<192000x128xf32, #tpu.memory_space<hbm>>, %arg3: memref<256x1920xf32, #tpu.memory_space<hbm>>, %arg4: memref<256x128xf32, #tpu.memory_space<hbm>>, %arg5: memref<375x128xi32, #tpu.memory_space<hbm>>, %arg6: memref<272xi32, #tpu.memory_space<hbm>>, %arg7: memref<32x16xf32, #tpu.memory_space<hbm>>, %arg8: memref<32x16xi32, #tpu.memory_space<hbm>>, %arg9: memref<8x1920xf32, #tpu.memory_space<vmem>>, %arg10: memref<128xf32, #tpu.memory_space<vmem>>, %arg11: memref<32xf32, #tpu.memory_space<vmem>>, %arg12: memref<32xi32, #tpu.memory_space<vmem>>, %arg13: memref<32xf32, #tpu.memory_space<vmem>>, %arg14: memref<32xi32, #tpu.memory_space<vmem>>, %arg15: memref<32xi32, #tpu.memory_space<vmem>>, %arg16: memref<32xi32, #tpu.memory_space<vmem>>, %arg17: memref<32xi32, #tpu.memory_space<vmem>>, %arg18: memref<32xi32, #tpu.memory_space<vmem>>, %arg19: memref<32x128xf32, #tpu.memory_space<vmem>>, %arg20: memref<32x128xf32, #tpu.memory_space<vmem>>, %arg21: memref<8x128xf32, #tpu.memory_space<vmem>>, %arg22: memref<16xi32, #tpu.memory_space<vmem>>, %arg23: memref<8xi32, #tpu.memory_space<vmem>>, %arg24: memref<8xi32, #tpu.memory_space<vmem>>, %arg25: memref<8x128xi32, #tpu.memory_space<vmem>>, %arg26: memref<16xf32, #tpu.memory_space<vmem>>, %arg27: memref<16xi32, #tpu.memory_space<vmem>>, %arg28: memref<!tpu.dma_semaphore, #tpu.memory_space<semaphore_mem>>, %arg29: memref<!tpu.dma_semaphore, #tpu.memory_space<semaphore_mem>>) attributes {dimension_semantics = [#tpu.dimension_semantics<core_parallel>, #tpu.dimension_semantics<subcore_parallel>], iteration_bounds = array<i64: 2, 16>, scalar_prefetch = 0 : i64, scratch_operands = 21 : i64, tpu.core_type = #tpu.core_type<sc_vector_subcore>, window_params = [{transform_indices = #map}, {transform_indices = #map}, {transform_indices = #map}, {transform_indices = #map}, {transform_indices = #map1}, {transform_indices = #map}, {transform_indices = #map}]} {
    %mul3A = arith.constant 2 : i32
    %mul3A_0 = arith.muli %arg1, %mul3A : i32
    %add3A = arith.addi %mul3A_0, %arg0 : i32
    %mul3A_1 = arith.constant 8 : i32
    %mul3A_2 = arith.muli %add3A, %mul3A_1 : i32
    "tpu.region"() ({
      %run_scoped3A = tpu.sem_alloc : memref<!tpu.dma_semaphore, #tpu.memory_space<semaphore_mem>>
      %dma_start3A_24 = arith.constant 0 : i32
      %dma_start3A_25 = tpu.memref_slice %arg4[%mul3A_2, %dma_start3A_24] : memref<256x128xf32, #tpu.memory_space<hbm>> -> memref<8x128xf32, #tpu.memory_space<hbm>>
      %dma_start3A_26 = arith.constant 0 : i32
      %dma_start3A_27 = tpu.memref_slice %arg4[%mul3A_2, %dma_start3A_26] : memref<256x128xf32, #tpu.memory_space<hbm>> -> memref<8x128xf32, #tpu.memory_space<hbm>>
      tpu.enqueue_dma source(%dma_start3A_27 : memref<8x128xf32, #tpu.memory_space<hbm>>) target(%arg21 : memref<8x128xf32, #tpu.memory_space<vmem>>) target_semaphore(%run_scoped3A : memref<!tpu.dma_semaphore, #tpu.memory_space<semaphore_mem>>)
      %dma_wait3A_28 = arith.constant 0 : i32
      %dma_wait3A_29 = tpu.memref_slice %arg4[%mul3A_2, %dma_wait3A_28] : memref<256x128xf32, #tpu.memory_space<hbm>> -> memref<8x128xf32, #tpu.memory_space<hbm>>
      %dma_wait3A_30 = arith.constant 0 : i32
      %dma_wait3A_31 = tpu.memref_slice %arg4[%mul3A_2, %dma_wait3A_30] : memref<256x128xf32, #tpu.memory_space<hbm>> -> memref<8x128xf32, #tpu.memory_space<hbm>>
      tpu.wait_dma2 semaphore(%run_scoped3A : memref<!tpu.dma_semaphore, #tpu.memory_space<semaphore_mem>>) src(%dma_wait3A_31 : memref<8x128xf32, #tpu.memory_space<hbm>>) dst(%arg21 : memref<8x128xf32, #tpu.memory_space<vmem>>)
      tpu.yield
    }) : () -> ()
    "tpu.region"() ({
      %run_scoped3A = tpu.sem_alloc : memref<!tpu.dma_semaphore, #tpu.memory_space<semaphore_mem>>
      %dma_start3A_24 = tpu.memref_slice %arg6[%mul3A_2] : memref<272xi32, #tpu.memory_space<hbm>> -> memref<16xi32, #tpu.memory_space<hbm>>
      %dma_start3A_25 = tpu.memref_slice %arg6[%mul3A_2] : memref<272xi32, #tpu.memory_space<hbm>> -> memref<16xi32, #tpu.memory_space<hbm>>
      tpu.enqueue_dma source(%dma_start3A_25 : memref<16xi32, #tpu.memory_space<hbm>>) target(%arg22 : memref<16xi32, #tpu.memory_space<vmem>>) target_semaphore(%run_scoped3A : memref<!tpu.dma_semaphore, #tpu.memory_space<semaphore_mem>>)
      %dma_wait3A_26 = tpu.memref_slice %arg6[%mul3A_2] : memref<272xi32, #tpu.memory_space<hbm>> -> memref<16xi32, #tpu.memory_space<hbm>>
      %dma_wait3A_27 = tpu.memref_slice %arg6[%mul3A_2] : memref<272xi32, #tpu.memory_space<hbm>> -> memref<16xi32, #tpu.memory_space<hbm>>
      tpu.wait_dma2 semaphore(%run_scoped3A : memref<!tpu.dma_semaphore, #tpu.memory_space<semaphore_mem>>) src(%dma_wait3A_27 : memref<16xi32, #tpu.memory_space<hbm>>) dst(%arg22 : memref<16xi32, #tpu.memory_space<vmem>>)
      tpu.yield
    }) : () -> ()
    "tpu.region"() ({
      %run_scoped3A = tpu.sem_alloc : memref<!tpu.dma_semaphore, #tpu.memory_space<semaphore_mem>>
      %dma_start3A_24 = arith.constant 0 : i32
      %dma_start3A_25 = tpu.memref_slice %arg3[%mul3A_2, %dma_start3A_24] : memref<256x1920xf32, #tpu.memory_space<hbm>> -> memref<8x1920xf32, #tpu.memory_space<hbm>>
      %dma_start3A_26 = arith.constant 0 : i32
      %dma_start3A_27 = tpu.memref_slice %arg3[%mul3A_2, %dma_start3A_26] : memref<256x1920xf32, #tpu.memory_space<hbm>> -> memref<8x1920xf32, #tpu.memory_space<hbm>>
      tpu.enqueue_dma source(%dma_start3A_27 : memref<8x1920xf32, #tpu.memory_space<hbm>>) target(%arg9 : memref<8x1920xf32, #tpu.memory_space<vmem>>) target_semaphore(%run_scoped3A : memref<!tpu.dma_semaphore, #tpu.memory_space<semaphore_mem>>)
      %dma_wait3A_28 = arith.constant 0 : i32
      %dma_wait3A_29 = tpu.memref_slice %arg3[%mul3A_2, %dma_wait3A_28] : memref<256x1920xf32, #tpu.memory_space<hbm>> -> memref<8x1920xf32, #tpu.memory_space<hbm>>
      %dma_wait3A_30 = arith.constant 0 : i32
      %dma_wait3A_31 = tpu.memref_slice %arg3[%mul3A_2, %dma_wait3A_30] : memref<256x1920xf32, #tpu.memory_space<hbm>> -> memref<8x1920xf32, #tpu.memory_space<hbm>>
      tpu.wait_dma2 semaphore(%run_scoped3A : memref<!tpu.dma_semaphore, #tpu.memory_space<semaphore_mem>>) src(%dma_wait3A_31 : memref<8x1920xf32, #tpu.memory_space<hbm>>) dst(%arg9 : memref<8x1920xf32, #tpu.memory_space<vmem>>)
      tpu.yield
    }) : () -> ()
    %scan3A = arith.constant 0.000000e+00 : f32
    %scan3A_3 = arith.constant 0 : i32
    %scan3A_4 = arith.constant 8 : i32
    %scan3A_5 = arith.addi %scan3A_3, %scan3A_4 : i32
    %scan3A_6 = arith.constant 1 : i32
    %scan3A_7 = scf.for %scan3A_24 = %scan3A_3 to %scan3A_5 step %scan3A_6 iter_args(%scan3A_25 = %scan3A) -> (f32)  : i32 {
      %add3A_26 = arith.addi %mul3A_2, %scan3A_24 : i32
      %broadcast_in_dim3A_27 = arith.constant 0xFF800000 : f32
      %broadcast_in_dim3A_28 = vector.broadcast %broadcast_in_dim3A_27 : f32 to vector<16xf32>
      %swap3A_29 = arith.constant 112 : index
      %swap3A_30 = tpu.vector_load %arg10[%swap3A_29] {strides = array<i32>} : memref<128xf32, #tpu.memory_space<vmem>>, vector<16xf32>,
      tpu.vector_store %arg10[%swap3A_29], %broadcast_in_dim3A_28 {strides = array<i32>} : memref<128xf32, #tpu.memory_space<vmem>>, vector<16xf32>,
      %scan3A_31 = arith.constant 0 : i32
      %scan3A_32 = arith.constant 0 : i32
      %scan3A_33 = arith.constant 120 : i32
      %scan3A_34 = arith.addi %scan3A_32, %scan3A_33 : i32
      %scan3A_35 = arith.constant 1 : i32
      scf.for %scan3A_419 = %scan3A_32 to %scan3A_34 step %scan3A_35  : i32 {
        %mul3A_420 = arith.constant 16 : i32
        %mul3A_421 = arith.muli %scan3A_419, %mul3A_420 : i32
        %get3A_422 = arith.index_cast %scan3A_24 : i32 to index
        %get3A_423 = arith.index_cast %mul3A_421 : i32 to index
        %get3A_424 = tpu.vector_load %arg9[%get3A_422, %get3A_423] {strides = array<i32>} : memref<8x1920xf32, #tpu.memory_space<vmem>>, vector<16xf32>,
        %reduce_max3A_425 = arith.constant true
        %reduce_max3A_426 = vector.broadcast %reduce_max3A_425 : i1 to vector<16xi1>
        %reduce_max3A_427 = tpu.scan <max>, %get3A_424 masked %reduce_max3A_426 : vector<16xf32>, vector<16xi1> -> vector<16xf32>
        %reduce_max3A_428 = vector.extract %reduce_max3A_427[15] : f32 from vector<16xf32>
        %broadcast_in_dim3A_429 = vector.broadcast %scan3A_419 : i32 to vector<16xi32>
        %broadcast_in_dim3A_430 = vector.broadcast %reduce_max3A_428 : f32 to vector<16xf32>
        %iota3A_431 = tpu.iota {dimensions = array<i32: 0>} : vector<16xi32>
        %eq3A_432 = arith.constant 0 : i32
        %eq3A_433 = vector.broadcast %eq3A_432 : i32 to vector<16xi32>
        %eq3A_434 = arith.cmpi eq, %iota3A_431, %eq3A_433 : vector<16xi32>
        tpu.vector_store_idx %arg10[%broadcast_in_dim3A_429], %broadcast_in_dim3A_430 masked %eq3A_434 : memref<128xf32, #tpu.memory_space<vmem>>[vector<16xi32>], vector<16xf32>, vector<16xi1>
      }
      %scan3A_36 = arith.constant 120 : i32
      %scan3A_37 = arith.constant 0 : i32
      %scan3A_38 = arith.constant 0 : i32
      %scan3A_39 = arith.constant 32 : i32
      %scan3A_40 = arith.addi %scan3A_38, %scan3A_39 : i32
      %scan3A_41 = arith.constant 1 : i32
      scf.for %scan3A_419 = %scan3A_38 to %scan3A_40 step %scan3A_41  : i32 {
        %get3A_420 = arith.constant 0 : index
        %get3A_421 = tpu.vector_load %arg10[%get3A_420] {strides = array<i32>} : memref<128xf32, #tpu.memory_space<vmem>>, vector<16xf32>,
        %reduce_max3A_422 = arith.constant true
        %reduce_max3A_423 = vector.broadcast %reduce_max3A_422 : i1 to vector<16xi1>
        %reduce_max3A_424 = tpu.scan <max>, %get3A_421 masked %reduce_max3A_423 : vector<16xf32>, vector<16xi1> -> vector<16xf32>
        %reduce_max3A_425 = vector.extract %reduce_max3A_424[15] : f32 from vector<16xf32>
        %gt3A = arith.constant 0xFF800000 : f32
        %gt3A_426 = arith.cmpf ogt, %reduce_max3A_425, %gt3A : f32
        %jit3A_427 = arith.constant 0xFF800000 : f32
        %select_n3A_428 = arith.select %gt3A_426, %reduce_max3A_425, %jit3A_427 : f32
        %jit3A_429 = arith.constant 0 : i32
        %jit3A_430 = arith.constant 0 : i32
        %select_n3A_431 = arith.select %gt3A_426, %jit3A_429, %jit3A_430 : i32
        %get3A_432 = arith.constant 16 : index
        %get3A_433 = tpu.vector_load %arg10[%get3A_432] {strides = array<i32>} : memref<128xf32, #tpu.memory_space<vmem>>, vector<16xf32>,
        %reduce_max3A_434 = arith.constant true
        %reduce_max3A_435 = vector.broadcast %reduce_max3A_434 : i1 to vector<16xi1>
        %reduce_max3A_436 = tpu.scan <max>, %get3A_433 masked %reduce_max3A_435 : vector<16xf32>, vector<16xi1> -> vector<16xf32>
        %reduce_max3A_437 = vector.extract %reduce_max3A_436[15] : f32 from vector<16xf32>
        %gt3A_438 = arith.cmpf ogt, %reduce_max3A_437, %select_n3A_428 : f32
        %select_n3A_439 = arith.select %gt3A_438, %reduce_max3A_437, %select_n3A_428 : f32
        %jit3A_440 = arith.constant 1 : i32
        %select_n3A_441 = arith.select %gt3A_438, %jit3A_440, %select_n3A_431 : i32
        %get3A_442 = arith.constant 32 : index
        %get3A_443 = tpu.vector_load %arg10[%get3A_442] {strides = array<i32>} : memref<128xf32, #tpu.memory_space<vmem>>, vector<16xf32>,
        %reduce_max3A_444 = arith.constant true
        %reduce_max3A_445 = vector.broadcast %reduce_max3A_444 : i1 to vector<16xi1>
        %reduce_max3A_446 = tpu.scan <max>, %get3A_443 masked %reduce_max3A_445 : vector<16xf32>, vector<16xi1> -> vector<16xf32>
        %reduce_max3A_447 = vector.extract %reduce_max3A_446[15] : f32 from vector<16xf32>
        %gt3A_448 = arith.cmpf ogt, %reduce_max3A_447, %select_n3A_439 : f32
        %select_n3A_449 = arith.select %gt3A_448, %reduce_max3A_447, %select_n3A_439 : f32
        %jit3A_450 = arith.constant 2 : i32
        %select_n3A_451 = arith.select %gt3A_448, %jit3A_450, %select_n3A_441 : i32
        %get3A_452 = arith.constant 48 : index
        %get3A_453 = tpu.vector_load %arg10[%get3A_452] {strides = array<i32>} : memref<128xf32, #tpu.memory_space<vmem>>, vector<16xf32>,
        %reduce_max3A_454 = arith.constant true
        %reduce_max3A_455 = vector.broadcast %reduce_max3A_454 : i1 to vector<16xi1>
        %reduce_max3A_456 = tpu.scan <max>, %get3A_453 masked %reduce_max3A_455 : vector<16xf32>, vector<16xi1> -> vector<16xf32>
        %reduce_max3A_457 = vector.extract %reduce_max3A_456[15] : f32 from vector<16xf32>
        %gt3A_458 = arith.cmpf ogt, %reduce_max3A_457, %select_n3A_449 : f32
        %select_n3A_459 = arith.select %gt3A_458, %reduce_max3A_457, %select_n3A_449 : f32
        %jit3A_460 = arith.constant 3 : i32
        %select_n3A_461 = arith.select %gt3A_458, %jit3A_460, %select_n3A_451 : i32
        %get3A_462 = arith.constant 64 : index
        %get3A_463 = tpu.vector_load %arg10[%get3A_462] {strides = array<i32>} : memref<128xf32, #tpu.memory_space<vmem>>, vector<16xf32>,
        %reduce_max3A_464 = arith.constant true
        %reduce_max3A_465 = vector.broadcast %reduce_max3A_464 : i1 to vector<16xi1>
        %reduce_max3A_466 = tpu.scan <max>, %get3A_463 masked %reduce_max3A_465 : vector<16xf32>, vector<16xi1> -> vector<16xf32>
        %reduce_max3A_467 = vector.extract %reduce_max3A_466[15] : f32 from vector<16xf32>
        %gt3A_468 = arith.cmpf ogt, %reduce_max3A_467, %select_n3A_459 : f32
        %select_n3A_469 = arith.select %gt3A_468, %reduce_max3A_467, %select_n3A_459 : f32
        %jit3A_470 = arith.constant 4 : i32
        %select_n3A_471 = arith.select %gt3A_468, %jit3A_470, %select_n3A_461 : i32
        %get3A_472 = arith.constant 80 : index
        %get3A_473 = tpu.vector_load %arg10[%get3A_472] {strides = array<i32>} : memref<128xf32, #tpu.memory_space<vmem>>, vector<16xf32>,
        %reduce_max3A_474 = arith.constant true
        %reduce_max3A_475 = vector.broadcast %reduce_max3A_474 : i1 to vector<16xi1>
        %reduce_max3A_476 = tpu.scan <max>, %get3A_473 masked %reduce_max3A_475 : vector<16xf32>, vector<16xi1> -> vector<16xf32>
        %reduce_max3A_477 = vector.extract %reduce_max3A_476[15] : f32 from vector<16xf32>
        %gt3A_478 = arith.cmpf ogt, %reduce_max3A_477, %select_n3A_469 : f32
        %select_n3A_479 = arith.select %gt3A_478, %reduce_max3A_477, %select_n3A_469 : f32
        %jit3A_480 = arith.constant 5 : i32
        %select_n3A_481 = arith.select %gt3A_478, %jit3A_480, %select_n3A_471 : i32
        %get3A_482 = arith.constant 96 : index
        %get3A_483 = tpu.vector_load %arg10[%get3A_482] {strides = array<i32>} : memref<128xf32, #tpu.memory_space<vmem>>, vector<16xf32>,
        %reduce_max3A_484 = arith.constant true
        %reduce_max3A_485 = vector.broadcast %reduce_max3A_484 : i1 to vector<16xi1>
        %reduce_max3A_486 = tpu.scan <max>, %get3A_483 masked %reduce_max3A_485 : vector<16xf32>, vector<16xi1> -> vector<16xf32>
        %reduce_max3A_487 = vector.extract %reduce_max3A_486[15] : f32 from vector<16xf32>
        %gt3A_488 = arith.cmpf ogt, %reduce_max3A_487, %select_n3A_479 : f32
        %select_n3A_489 = arith.select %gt3A_488, %reduce_max3A_487, %select_n3A_479 : f32
        %jit3A_490 = arith.constant 6 : i32
        %select_n3A_491 = arith.select %gt3A_488, %jit3A_490, %select_n3A_481 : i32
        %get3A_492 = arith.constant 112 : index
        %get3A_493 = tpu.vector_load %arg10[%get3A_492] {strides = array<i32>} : memref<128xf32, #tpu.memory_space<vmem>>, vector<16xf32>,
        %reduce_max3A_494 = arith.constant true
        %reduce_max3A_495 = vector.broadcast %reduce_max3A_494 : i1 to vector<16xi1>
        %reduce_max3A_496 = tpu.scan <max>, %get3A_493 masked %reduce_max3A_495 : vector<16xf32>, vector<16xi1> -> vector<16xf32>
        %reduce_max3A_497 = vector.extract %reduce_max3A_496[15] : f32 from vector<16xf32>
        %gt3A_498 = arith.cmpf ogt, %reduce_max3A_497, %select_n3A_489 : f32
        %select_n3A_499 = arith.select %gt3A_498, %reduce_max3A_497, %select_n3A_489 : f32
        %jit3A_500 = arith.constant 7 : i32
        %select_n3A_501 = arith.select %gt3A_498, %jit3A_500, %select_n3A_491 : i32
        %mul3A_502 = arith.constant 16 : i32
        %mul3A_503 = arith.muli %select_n3A_501, %mul3A_502 : i32
        %mul3A_504 = arith.constant 16 : i32
        %mul3A_505 = arith.muli %select_n3A_501, %mul3A_504 : i32
        %get3A_506 = arith.index_cast %mul3A_505 : i32 to index
        %get3A_507 = tpu.vector_load %arg10[%get3A_506] {strides = array<i32>} : memref<128xf32, #tpu.memory_space<vmem>>, vector<16xf32>,
        %eq3A_508 = vector.broadcast %select_n3A_499 : f32 to vector<16xf32>
        %eq3A_509 = arith.cmpf oeq, %get3A_507, %eq3A_508 : vector<16xf32>
        %iota3A_510 = tpu.iota {dimensions = array<i32: 0>} : vector<16xi32>
        %jit3A_511 = arith.constant 99 : i32
        %broadcast_in_dim3A_512 = vector.broadcast %jit3A_511 : i32 to vector<16xi32>
        %select_n3A_513 = arith.select %eq3A_509, %iota3A_510, %broadcast_in_dim3A_512 : vector<16xi1>, vector<16xi32>
        %reduce_min3A_514 = arith.constant true
        %reduce_min3A_515 = vector.broadcast %reduce_min3A_514 : i1 to vector<16xi1>
        %reduce_min3A_516 = arith.constant -2147483648 : i32
        %reduce_min3A_517 = vector.broadcast %reduce_min3A_516 : i32 to vector<16xi32>
        %reduce_min3A_518 = arith.xori %select_n3A_513, %reduce_min3A_517 : vector<16xi32>
        %reduce_min3A_519 = tpu.scan <min>, %reduce_min3A_518 masked %reduce_min3A_515 : vector<16xi32>, vector<16xi1> -> vector<16xi32>
        %reduce_min3A_520 = arith.xori %reduce_min3A_519, %reduce_min3A_517 : vector<16xi32>
        %reduce_min3A_521 = vector.extract %reduce_min3A_520[15] : i32 from vector<16xi32>
        %add3A_522 = arith.addi %mul3A_503, %reduce_min3A_521 : i32
        %mul3A_523 = arith.constant 16 : i32
        %mul3A_524 = arith.muli %add3A_522, %mul3A_523 : i32
        %get3A_525 = arith.index_cast %scan3A_24 : i32 to index
        %get3A_526 = arith.index_cast %mul3A_524 : i32 to index
        %get3A_527 = tpu.vector_load %arg9[%get3A_525, %get3A_526] {strides = array<i32>} : memref<8x1920xf32, #tpu.memory_space<vmem>>, vector<16xf32>,
        %eq3A_528 = vector.broadcast %select_n3A_499 : f32 to vector<16xf32>
        %eq3A_529 = arith.cmpf oeq, %get3A_527, %eq3A_528 : vector<16xf32>
        %iota3A_530 = tpu.iota {dimensions = array<i32: 0>} : vector<16xi32>
        %jit3A_531 = arith.constant 99 : i32
        %broadcast_in_dim3A_532 = vector.broadcast %jit3A_531 : i32 to vector<16xi32>
        %select_n3A_533 = arith.select %eq3A_529, %iota3A_530, %broadcast_in_dim3A_532 : vector<16xi1>, vector<16xi32>
        %reduce_min3A_534 = arith.constant true
        %reduce_min3A_535 = vector.broadcast %reduce_min3A_534 : i1 to vector<16xi1>
        %reduce_min3A_536 = arith.constant -2147483648 : i32
        %reduce_min3A_537 = vector.broadcast %reduce_min3A_536 : i32 to vector<16xi32>
        %reduce_min3A_538 = arith.xori %select_n3A_533, %reduce_min3A_537 : vector<16xi32>
        %reduce_min3A_539 = tpu.scan <min>, %reduce_min3A_538 masked %reduce_min3A_535 : vector<16xi32>, vector<16xi1> -> vector<16xi32>
        %reduce_min3A_540 = arith.xori %reduce_min3A_539, %reduce_min3A_537 : vector<16xi32>
        %reduce_min3A_541 = vector.extract %reduce_min3A_540[15] : i32 from vector<16xi32>
        %mul3A_542 = arith.constant 16 : i32
        %mul3A_543 = arith.muli %add3A_522, %mul3A_542 : i32
        %add3A_544 = arith.addi %mul3A_543, %reduce_min3A_541 : i32
        %jit3A_545 = arith.constant 128 : i32
        %div3A_546 = arith.divsi %add3A_544, %jit3A_545 : i32
        %sign3A_547 = arith.constant 0 : i32
        %sign3A_548 = arith.cmpi sgt, %add3A_544, %sign3A_547 : i32
        %sign3A_549 = arith.extui %sign3A_548 : i1 to i32
        %sign3A_550 = arith.constant 0 : i32
        %sign3A_551 = arith.cmpi slt, %add3A_544, %sign3A_550 : i32
        %sign3A_552 = arith.extui %sign3A_551 : i1 to i32
        %sign3A_553 = arith.subi %sign3A_549, %sign3A_552 : i32
        %sign3A_554 = arith.constant 0 : i32
        %sign3A_555 = arith.cmpi sgt, %jit3A_545, %sign3A_554 : i32
        %sign3A_556 = arith.extui %sign3A_555 : i1 to i32
        %sign3A_557 = arith.constant 0 : i32
        %sign3A_558 = arith.cmpi slt, %jit3A_545, %sign3A_557 : i32
        %sign3A_559 = arith.extui %sign3A_558 : i1 to i32
        %sign3A_560 = arith.subi %sign3A_556, %sign3A_559 : i32
        %ne3A_561 = arith.cmpi ne, %sign3A_553, %sign3A_560 : i32
        %rem3A_562 = arith.remsi %add3A_544, %jit3A_545 : i32
        %ne3A_563 = arith.constant 0 : i32
        %ne3A_564 = arith.cmpi ne, %rem3A_562, %ne3A_563 : i32
        %and3A_565 = arith.andi %ne3A_561, %ne3A_564 : i1
        %sub3A_566 = arith.constant 1 : i32
        %sub3A_567 = arith.subi %div3A_546, %sub3A_566 : i32
        %select_n3A_568 = arith.select %and3A_565, %sub3A_567, %div3A_546 : i32
        %mul3A_569 = arith.constant 25 : i32
        %mul3A_570 = arith.muli %select_n3A_568, %mul3A_569 : i32
        %jit3A_571 = arith.constant 128 : i32
        %eq3A_572 = arith.constant 0 : i32
        %eq3A_573 = arith.cmpi eq, %jit3A_571, %eq3A_572 : i32
        %jit3A_574 = arith.constant 1 : i32
        %select_n3A_575 = arith.select %eq3A_573, %jit3A_574, %jit3A_571 : i32
        %rem3A_576 = arith.remsi %add3A_544, %select_n3A_575 : i32
        %ne3A_577 = arith.constant 0 : i32
        %ne3A_578 = arith.cmpi ne, %rem3A_576, %ne3A_577 : i32
        %lt3A_579 = arith.constant 0 : i32
        %lt3A_580 = arith.cmpi slt, %rem3A_576, %lt3A_579 : i32
        %lt3A_581 = arith.constant 0 : i32
        %lt3A_582 = arith.cmpi slt, %select_n3A_575, %lt3A_581 : i32
        %ne3A_583 = arith.xori %lt3A_580, %lt3A_582 : i1
        %and3A_584 = arith.andi %ne3A_583, %ne3A_578 : i1
        %add3A_585 = arith.addi %rem3A_576, %select_n3A_575 : i32
        %select_n3A_586 = arith.select %and3A_584, %add3A_585, %rem3A_576 : i32
        %add3A_587 = arith.addi %mul3A_570, %select_n3A_586 : i32
        %broadcast_in_dim3A_588 = vector.broadcast %scan3A_419 : i32 to vector<16xi32>
        %broadcast_in_dim3A_589 = vector.broadcast %select_n3A_499 : f32 to vector<16xf32>
        %iota3A_590 = tpu.iota {dimensions = array<i32: 0>} : vector<16xi32>
        %eq3A_591 = arith.constant 0 : i32
        %eq3A_592 = vector.broadcast %eq3A_591 : i32 to vector<16xi32>
        %eq3A_593 = arith.cmpi eq, %iota3A_590, %eq3A_592 : vector<16xi32>
        tpu.vector_store_idx %arg11[%broadcast_in_dim3A_588], %broadcast_in_dim3A_589 masked %eq3A_593 : memref<32xf32, #tpu.memory_space<vmem>>[vector<16xi32>], vector<16xf32>, vector<16xi1>
        %broadcast_in_dim3A_594 = vector.broadcast %scan3A_419 : i32 to vector<16xi32>
        %broadcast_in_dim3A_595 = vector.broadcast %add3A_587 : i32 to vector<16xi32>
        %iota3A_596 = tpu.iota {dimensions = array<i32: 0>} : vector<16xi32>
        %eq3A_597 = arith.constant 0 : i32
        %eq3A_598 = vector.broadcast %eq3A_597 : i32 to vector<16xi32>
        %eq3A_599 = arith.cmpi eq, %iota3A_596, %eq3A_598 : vector<16xi32>
        tpu.vector_store_idx %arg12[%broadcast_in_dim3A_594], %broadcast_in_dim3A_595 masked %eq3A_599 : memref<32xi32, #tpu.memory_space<vmem>>[vector<16xi32>], vector<16xi32>, vector<16xi1>
        %broadcast_in_dim3A_600 = vector.broadcast %scan3A_24 : i32 to vector<16xi32>
        %broadcast_in_dim3A_601 = vector.broadcast %add3A_544 : i32 to vector<16xi32>
        %broadcast_in_dim3A_602 = arith.constant 0xFF800000 : f32
        %broadcast_in_dim3A_603 = vector.broadcast %broadcast_in_dim3A_602 : f32 to vector<16xf32>
        %iota3A_604 = tpu.iota {dimensions = array<i32: 0>} : vector<16xi32>
        %eq3A_605 = arith.constant 0 : i32
        %eq3A_606 = vector.broadcast %eq3A_605 : i32 to vector<16xi32>
        %eq3A_607 = arith.cmpi eq, %iota3A_604, %eq3A_606 : vector<16xi32>
        tpu.vector_store_idx %arg9[%broadcast_in_dim3A_600, %broadcast_in_dim3A_601], %broadcast_in_dim3A_603 masked %eq3A_607 : memref<8x1920xf32, #tpu.memory_space<vmem>>[vector<16xi32>, vector<16xi32>], vector<16xf32>, vector<16xi1>
        %mul3A_608 = arith.constant 16 : i32
        %mul3A_609 = arith.muli %add3A_522, %mul3A_608 : i32
        %get3A_610 = arith.index_cast %scan3A_24 : i32 to index
        %get3A_611 = arith.index_cast %mul3A_609 : i32 to index
        %get3A_612 = tpu.vector_load %arg9[%get3A_610, %get3A_611] {strides = array<i32>} : memref<8x1920xf32, #tpu.memory_space<vmem>>, vector<16xf32>,
        %reduce_max3A_613 = arith.constant true
        %reduce_max3A_614 = vector.broadcast %reduce_max3A_613 : i1 to vector<16xi1>
        %reduce_max3A_615 = tpu.scan <max>, %get3A_612 masked %reduce_max3A_614 : vector<16xf32>, vector<16xi1> -> vector<16xf32>
        %reduce_max3A_616 = vector.extract %reduce_max3A_615[15] : f32 from vector<16xf32>
        %broadcast_in_dim3A_617 = vector.broadcast %add3A_522 : i32 to vector<16xi32>
        %broadcast_in_dim3A_618 = vector.broadcast %reduce_max3A_616 : f32 to vector<16xf32>
        %iota3A_619 = tpu.iota {dimensions = array<i32: 0>} : vector<16xi32>
        %eq3A_620 = arith.constant 0 : i32
        %eq3A_621 = vector.broadcast %eq3A_620 : i32 to vector<16xi32>
        %eq3A_622 = arith.cmpi eq, %iota3A_619, %eq3A_621 : vector<16xi32>
        tpu.vector_store_idx %arg10[%broadcast_in_dim3A_617], %broadcast_in_dim3A_618 masked %eq3A_622 : memref<128xf32, #tpu.memory_space<vmem>>[vector<16xi32>], vector<16xf32>, vector<16xi1>
      }
      %scan3A_42 = arith.constant 32 : i32
      %get3A = arith.constant 0 : index
      %get3A_43 = tpu.vector_load %arg12[%get3A] {strides = array<i32>} : memref<32xi32, #tpu.memory_space<vmem>>, vector<16xi32>,
      %get3A_44 = arith.constant 16 : index
      %get3A_45 = tpu.vector_load %arg12[%get3A_44] {strides = array<i32>} : memref<32xi32, #tpu.memory_space<vmem>>, vector<16xi32>,
      %mul3A_46 = arith.constant 512 : i32
      %mul3A_47 = vector.broadcast %mul3A_46 : i32 to vector<16xi32>
      %mul3A_48 = arith.muli %get3A_43, %mul3A_47 : vector<16xi32>
      %add3A_49 = vector.broadcast %add3A_26 : i32 to vector<16xi32>
      %add3A_50 = arith.addi %mul3A_48, %add3A_49 : vector<16xi32>
      %swap3A_51 = arith.constant 0 : index
      %swap3A_52 = tpu.vector_load %arg17[%swap3A_51] {strides = array<i32>} : memref<32xi32, #tpu.memory_space<vmem>>, vector<16xi32>,
      tpu.vector_store %arg17[%swap3A_51], %add3A_50 {strides = array<i32>} : memref<32xi32, #tpu.memory_space<vmem>>, vector<16xi32>,
      %mul3A_53 = arith.constant 512 : i32
      %mul3A_54 = vector.broadcast %mul3A_53 : i32 to vector<16xi32>
      %mul3A_55 = arith.muli %get3A_45, %mul3A_54 : vector<16xi32>
      %add3A_56 = vector.broadcast %add3A_26 : i32 to vector<16xi32>
      %add3A_57 = arith.addi %mul3A_55, %add3A_56 : vector<16xi32>
      %swap3A_58 = arith.constant 16 : index
      %swap3A_59 = tpu.vector_load %arg17[%swap3A_58] {strides = array<i32>} : memref<32xi32, #tpu.memory_space<vmem>>, vector<16xi32>,
      tpu.vector_store %arg17[%swap3A_58], %add3A_57 {strides = array<i32>} : memref<32xi32, #tpu.memory_space<vmem>>, vector<16xi32>,
      %mul3A_60 = arith.constant 512 : i32
      %mul3A_61 = vector.broadcast %mul3A_60 : i32 to vector<16xi32>
      %mul3A_62 = arith.muli %get3A_43, %mul3A_61 : vector<16xi32>
      %add3A_63 = arith.constant 256 : i32
      %add3A_64 = vector.broadcast %add3A_63 : i32 to vector<16xi32>
      %add3A_65 = arith.addi %mul3A_62, %add3A_64 : vector<16xi32>
      %add3A_66 = vector.broadcast %add3A_26 : i32 to vector<16xi32>
      %add3A_67 = arith.addi %add3A_65, %add3A_66 : vector<16xi32>
      %swap3A_68 = arith.constant 0 : index
      %swap3A_69 = tpu.vector_load %arg18[%swap3A_68] {strides = array<i32>} : memref<32xi32, #tpu.memory_space<vmem>>, vector<16xi32>,
      tpu.vector_store %arg18[%swap3A_68], %add3A_67 {strides = array<i32>} : memref<32xi32, #tpu.memory_space<vmem>>, vector<16xi32>,
      %mul3A_70 = arith.constant 512 : i32
      %mul3A_71 = vector.broadcast %mul3A_70 : i32 to vector<16xi32>
      %mul3A_72 = arith.muli %get3A_45, %mul3A_71 : vector<16xi32>
      %add3A_73 = arith.constant 256 : i32
      %add3A_74 = vector.broadcast %add3A_73 : i32 to vector<16xi32>
      %add3A_75 = arith.addi %mul3A_72, %add3A_74 : vector<16xi32>
      %add3A_76 = vector.broadcast %add3A_26 : i32 to vector<16xi32>
      %add3A_77 = arith.addi %add3A_75, %add3A_76 : vector<16xi32>
      %swap3A_78 = arith.constant 16 : index
      %swap3A_79 = tpu.vector_load %arg18[%swap3A_78] {strides = array<i32>} : memref<32xi32, #tpu.memory_space<vmem>>, vector<16xi32>,
      tpu.vector_store %arg18[%swap3A_78], %add3A_77 {strides = array<i32>} : memref<32xi32, #tpu.memory_space<vmem>>, vector<16xi32>,
      %dma_start3A_80 = arith.constant 0 : i32
      %dma_start3A_81 = arith.constant 0 : i32
      %dma_start3A_82 = tpu.memref_slice %arg2[%dma_start3A_80, %dma_start3A_81] : memref<192000x128xf32, #tpu.memory_space<hbm>> -> memref<192000x128xf32, #tpu.memory_space<hbm>>
      tpu.enqueue_indirect_dma source(%dma_start3A_82 : memref<192000x128xf32, #tpu.memory_space<hbm>>) target(%arg19 : memref<32x128xf32, #tpu.memory_space<vmem>>) offsets(%arg17 : memref<32xi32, #tpu.memory_space<vmem>>) semaphore(%arg28 : memref<!tpu.dma_semaphore, #tpu.memory_space<semaphore_mem>>)
      %dma_start3A_83 = arith.constant 0 : i32
      %dma_start3A_84 = arith.constant 0 : i32
      %dma_start3A_85 = tpu.memref_slice %arg2[%dma_start3A_83, %dma_start3A_84] : memref<192000x128xf32, #tpu.memory_space<hbm>> -> memref<192000x128xf32, #tpu.memory_space<hbm>>
      tpu.enqueue_indirect_dma source(%dma_start3A_85 : memref<192000x128xf32, #tpu.memory_space<hbm>>) target(%arg20 : memref<32x128xf32, #tpu.memory_space<vmem>>) offsets(%arg18 : memref<32xi32, #tpu.memory_space<vmem>>) semaphore(%arg29 : memref<!tpu.dma_semaphore, #tpu.memory_space<semaphore_mem>>)
      %dma_wait3A_86 = arith.constant 0 : i32
      %dma_wait3A_87 = arith.constant 0 : i32
      %dma_wait3A_88 = tpu.memref_slice %arg2[%dma_wait3A_86, %dma_wait3A_87] : memref<192000x128xf32, #tpu.memory_space<hbm>> -> memref<192000x128xf32, #tpu.memory_space<hbm>>
      tpu.wait_indirect_dma semaphore(%arg28 : memref<!tpu.dma_semaphore, #tpu.memory_space<semaphore_mem>>) src(%dma_wait3A_88 : memref<192000x128xf32, #tpu.memory_space<hbm>>) dst(%arg19 : memref<32x128xf32, #tpu.memory_space<vmem>>)
      %scan3A_89 = arith.constant 0 : i32
      %scan3A_90 = arith.constant 0 : i32
      %scan3A_91 = arith.constant 32 : i32
      %scan3A_92 = arith.addi %scan3A_90, %scan3A_91 : i32
      %scan3A_93 = arith.constant 1 : i32
      scf.for %scan3A_419 = %scan3A_90 to %scan3A_92 step %scan3A_93  : i32 {
        %get3A_420 = arith.constant 0 : index
        %get3A_421 = tpu.vector_load %arg11[%get3A_420] {strides = array<i32>} : memref<32xf32, #tpu.memory_space<vmem>>, vector<16xf32>,
        %reduce_max3A_422 = arith.constant true
        %reduce_max3A_423 = vector.broadcast %reduce_max3A_422 : i1 to vector<16xi1>
        %reduce_max3A_424 = tpu.scan <max>, %get3A_421 masked %reduce_max3A_423 : vector<16xf32>, vector<16xi1> -> vector<16xf32>
        %reduce_max3A_425 = vector.extract %reduce_max3A_424[15] : f32 from vector<16xf32>
        %gt3A = arith.constant 0xFF800000 : f32
        %gt3A_426 = arith.cmpf ogt, %reduce_max3A_425, %gt3A : f32
        %jit3A_427 = arith.constant 0xFF800000 : f32
        %select_n3A_428 = arith.select %gt3A_426, %reduce_max3A_425, %jit3A_427 : f32
        %jit3A_429 = arith.constant 0 : i32
        %jit3A_430 = arith.constant 0 : i32
        %select_n3A_431 = arith.select %gt3A_426, %jit3A_429, %jit3A_430 : i32
        %get3A_432 = arith.constant 16 : index
        %get3A_433 = tpu.vector_load %arg11[%get3A_432] {strides = array<i32>} : memref<32xf32, #tpu.memory_space<vmem>>, vector<16xf32>,
        %reduce_max3A_434 = arith.constant true
        %reduce_max3A_435 = vector.broadcast %reduce_max3A_434 : i1 to vector<16xi1>
        %reduce_max3A_436 = tpu.scan <max>, %get3A_433 masked %reduce_max3A_435 : vector<16xf32>, vector<16xi1> -> vector<16xf32>
        %reduce_max3A_437 = vector.extract %reduce_max3A_436[15] : f32 from vector<16xf32>
        %gt3A_438 = arith.cmpf ogt, %reduce_max3A_437, %select_n3A_428 : f32
        %select_n3A_439 = arith.select %gt3A_438, %reduce_max3A_437, %select_n3A_428 : f32
        %jit3A_440 = arith.constant 1 : i32
        %select_n3A_441 = arith.select %gt3A_438, %jit3A_440, %select_n3A_431 : i32
        %mul3A_442 = arith.constant 16 : i32
        %mul3A_443 = arith.muli %select_n3A_441, %mul3A_442 : i32
        %mul3A_444 = arith.constant 16 : i32
        %mul3A_445 = arith.muli %select_n3A_441, %mul3A_444 : i32
        %get3A_446 = arith.index_cast %mul3A_445 : i32 to index
        %get3A_447 = tpu.vector_load %arg11[%get3A_446] {strides = array<i32>} : memref<32xf32, #tpu.memory_space<vmem>>, vector<16xf32>,
        %eq3A_448 = vector.broadcast %select_n3A_439 : f32 to vector<16xf32>
        %eq3A_449 = arith.cmpf oeq, %get3A_447, %eq3A_448 : vector<16xf32>
        %iota3A_450 = tpu.iota {dimensions = array<i32: 0>} : vector<16xi32>
        %jit3A_451 = arith.constant 99 : i32
        %broadcast_in_dim3A_452 = vector.broadcast %jit3A_451 : i32 to vector<16xi32>
        %select_n3A_453 = arith.select %eq3A_449, %iota3A_450, %broadcast_in_dim3A_452 : vector<16xi1>, vector<16xi32>
        %reduce_min3A_454 = arith.constant true
        %reduce_min3A_455 = vector.broadcast %reduce_min3A_454 : i1 to vector<16xi1>
        %reduce_min3A_456 = arith.constant -2147483648 : i32
        %reduce_min3A_457 = vector.broadcast %reduce_min3A_456 : i32 to vector<16xi32>
        %reduce_min3A_458 = arith.xori %select_n3A_453, %reduce_min3A_457 : vector<16xi32>
        %reduce_min3A_459 = tpu.scan <min>, %reduce_min3A_458 masked %reduce_min3A_455 : vector<16xi32>, vector<16xi1> -> vector<16xi32>
        %reduce_min3A_460 = arith.xori %reduce_min3A_459, %reduce_min3A_457 : vector<16xi32>
        %reduce_min3A_461 = vector.extract %reduce_min3A_460[15] : i32 from vector<16xi32>
        %add3A_462 = arith.addi %mul3A_443, %reduce_min3A_461 : i32
        %get3A_463 = arith.index_cast %add3A_462 : i32 to index
        %get3A_464 = arith.constant 0 : index
        %get3A_465 = tpu.vector_load %arg19[%get3A_463, %get3A_464] {strides = array<i32>} : memref<32x128xf32, #tpu.memory_space<vmem>>, vector<16xf32>,
        %eq3A_466 = vector.broadcast %select_n3A_439 : f32 to vector<16xf32>
        %eq3A_467 = arith.cmpf oeq, %get3A_465, %eq3A_466 : vector<16xf32>
        %iota3A_468 = tpu.iota {dimensions = array<i32: 0>} : vector<16xi32>
        %jit3A_469 = arith.constant 99 : i32
        %broadcast_in_dim3A_470 = vector.broadcast %jit3A_469 : i32 to vector<16xi32>
        %select_n3A_471 = arith.select %eq3A_467, %iota3A_468, %broadcast_in_dim3A_470 : vector<16xi1>, vector<16xi32>
        %reduce_min3A_472 = arith.constant true
        %reduce_min3A_473 = vector.broadcast %reduce_min3A_472 : i1 to vector<16xi1>
        %reduce_min3A_474 = arith.constant -2147483648 : i32
        %reduce_min3A_475 = vector.broadcast %reduce_min3A_474 : i32 to vector<16xi32>
        %reduce_min3A_476 = arith.xori %select_n3A_471, %reduce_min3A_475 : vector<16xi32>
        %reduce_min3A_477 = tpu.scan <min>, %reduce_min3A_476 masked %reduce_min3A_473 : vector<16xi32>, vector<16xi1> -> vector<16xi32>
        %reduce_min3A_478 = arith.xori %reduce_min3A_477, %reduce_min3A_475 : vector<16xi32>
        %reduce_min3A_479 = vector.extract %reduce_min3A_478[15] : i32 from vector<16xi32>
        %eq3A_480 = arith.constant 99 : i32
        %eq3A_481 = arith.constant 99 : i32
        %eq3A_482 = arith.cmpi eq, %eq3A_480, %eq3A_481 : i32
        %lt3A_483 = arith.constant 99 : i32
        %lt3A_484 = arith.cmpi slt, %reduce_min3A_479, %lt3A_483 : i32
        %and3A_485 = arith.andi %eq3A_482, %lt3A_484 : i1
        %jit3A_486 = arith.constant 0 : i32
        %jit3A_487 = arith.constant 0 : i32
        %select_n3A_488 = arith.select %and3A_485, %jit3A_486, %jit3A_487 : i32
        %jit3A_489 = arith.constant 99 : i32
        %select_n3A_490 = arith.select %and3A_485, %reduce_min3A_479, %jit3A_489 : i32
        %get3A_491 = arith.index_cast %add3A_462 : i32 to index
        %get3A_492 = arith.constant 16 : index
        %get3A_493 = tpu.vector_load %arg19[%get3A_491, %get3A_492] {strides = array<i32>} : memref<32x128xf32, #tpu.memory_space<vmem>>, vector<16xf32>,
        %eq3A_494 = vector.broadcast %select_n3A_439 : f32 to vector<16xf32>
        %eq3A_495 = arith.cmpf oeq, %get3A_493, %eq3A_494 : vector<16xf32>
        %iota3A_496 = tpu.iota {dimensions = array<i32: 0>} : vector<16xi32>
        %jit3A_497 = arith.constant 99 : i32
        %broadcast_in_dim3A_498 = vector.broadcast %jit3A_497 : i32 to vector<16xi32>
        %select_n3A_499 = arith.select %eq3A_495, %iota3A_496, %broadcast_in_dim3A_498 : vector<16xi1>, vector<16xi32>
        %reduce_min3A_500 = arith.constant true
        %reduce_min3A_501 = vector.broadcast %reduce_min3A_500 : i1 to vector<16xi1>
        %reduce_min3A_502 = arith.constant -2147483648 : i32
        %reduce_min3A_503 = vector.broadcast %reduce_min3A_502 : i32 to vector<16xi32>
        %reduce_min3A_504 = arith.xori %select_n3A_499, %reduce_min3A_503 : vector<16xi32>
        %reduce_min3A_505 = tpu.scan <min>, %reduce_min3A_504 masked %reduce_min3A_501 : vector<16xi32>, vector<16xi1> -> vector<16xi32>
        %reduce_min3A_506 = arith.xori %reduce_min3A_505, %reduce_min3A_503 : vector<16xi32>
        %reduce_min3A_507 = vector.extract %reduce_min3A_506[15] : i32 from vector<16xi32>
        %eq3A_508 = arith.constant 99 : i32
        %eq3A_509 = arith.cmpi eq, %select_n3A_490, %eq3A_508 : i32
        %lt3A_510 = arith.constant 99 : i32
        %lt3A_511 = arith.cmpi slt, %reduce_min3A_507, %lt3A_510 : i32
        %and3A_512 = arith.andi %eq3A_509, %lt3A_511 : i1
        %jit3A_513 = arith.constant 1 : i32
        %select_n3A_514 = arith.select %and3A_512, %jit3A_513, %select_n3A_488 : i32
        %select_n3A_515 = arith.select %and3A_512, %reduce_min3A_507, %select_n3A_490 : i32
        %get3A_516 = arith.index_cast %add3A_462 : i32 to index
        %get3A_517 = arith.constant 32 : index
        %get3A_518 = tpu.vector_load %arg19[%get3A_516, %get3A_517] {strides = array<i32>} : memref<32x128xf32, #tpu.memory_space<vmem>>, vector<16xf32>,
        %eq3A_519 = vector.broadcast %select_n3A_439 : f32 to vector<16xf32>
        %eq3A_520 = arith.cmpf oeq, %get3A_518, %eq3A_519 : vector<16xf32>
        %iota3A_521 = tpu.iota {dimensions = array<i32: 0>} : vector<16xi32>
        %jit3A_522 = arith.constant 99 : i32
        %broadcast_in_dim3A_523 = vector.broadcast %jit3A_522 : i32 to vector<16xi32>
        %select_n3A_524 = arith.select %eq3A_520, %iota3A_521, %broadcast_in_dim3A_523 : vector<16xi1>, vector<16xi32>
        %reduce_min3A_525 = arith.constant true
        %reduce_min3A_526 = vector.broadcast %reduce_min3A_525 : i1 to vector<16xi1>
        %reduce_min3A_527 = arith.constant -2147483648 : i32
        %reduce_min3A_528 = vector.broadcast %reduce_min3A_527 : i32 to vector<16xi32>
        %reduce_min3A_529 = arith.xori %select_n3A_524, %reduce_min3A_528 : vector<16xi32>
        %reduce_min3A_530 = tpu.scan <min>, %reduce_min3A_529 masked %reduce_min3A_526 : vector<16xi32>, vector<16xi1> -> vector<16xi32>
        %reduce_min3A_531 = arith.xori %reduce_min3A_530, %reduce_min3A_528 : vector<16xi32>
        %reduce_min3A_532 = vector.extract %reduce_min3A_531[15] : i32 from vector<16xi32>
        %eq3A_533 = arith.constant 99 : i32
        %eq3A_534 = arith.cmpi eq, %select_n3A_515, %eq3A_533 : i32
        %lt3A_535 = arith.constant 99 : i32
        %lt3A_536 = arith.cmpi slt, %reduce_min3A_532, %lt3A_535 : i32
        %and3A_537 = arith.andi %eq3A_534, %lt3A_536 : i1
        %jit3A_538 = arith.constant 2 : i32
        %select_n3A_539 = arith.select %and3A_537, %jit3A_538, %select_n3A_514 : i32
        %select_n3A_540 = arith.select %and3A_537, %reduce_min3A_532, %select_n3A_515 : i32
        %get3A_541 = arith.index_cast %add3A_462 : i32 to index
        %get3A_542 = arith.constant 48 : index
        %get3A_543 = tpu.vector_load %arg19[%get3A_541, %get3A_542] {strides = array<i32>} : memref<32x128xf32, #tpu.memory_space<vmem>>, vector<16xf32>,
        %eq3A_544 = vector.broadcast %select_n3A_439 : f32 to vector<16xf32>
        %eq3A_545 = arith.cmpf oeq, %get3A_543, %eq3A_544 : vector<16xf32>
        %iota3A_546 = tpu.iota {dimensions = array<i32: 0>} : vector<16xi32>
        %jit3A_547 = arith.constant 99 : i32
        %broadcast_in_dim3A_548 = vector.broadcast %jit3A_547 : i32 to vector<16xi32>
        %select_n3A_549 = arith.select %eq3A_545, %iota3A_546, %broadcast_in_dim3A_548 : vector<16xi1>, vector<16xi32>
        %reduce_min3A_550 = arith.constant true
        %reduce_min3A_551 = vector.broadcast %reduce_min3A_550 : i1 to vector<16xi1>
        %reduce_min3A_552 = arith.constant -2147483648 : i32
        %reduce_min3A_553 = vector.broadcast %reduce_min3A_552 : i32 to vector<16xi32>
        %reduce_min3A_554 = arith.xori %select_n3A_549, %reduce_min3A_553 : vector<16xi32>
        %reduce_min3A_555 = tpu.scan <min>, %reduce_min3A_554 masked %reduce_min3A_551 : vector<16xi32>, vector<16xi1> -> vector<16xi32>
        %reduce_min3A_556 = arith.xori %reduce_min3A_555, %reduce_min3A_553 : vector<16xi32>
        %reduce_min3A_557 = vector.extract %reduce_min3A_556[15] : i32 from vector<16xi32>
        %eq3A_558 = arith.constant 99 : i32
        %eq3A_559 = arith.cmpi eq, %select_n3A_540, %eq3A_558 : i32
        %lt3A_560 = arith.constant 99 : i32
        %lt3A_561 = arith.cmpi slt, %reduce_min3A_557, %lt3A_560 : i32
        %and3A_562 = arith.andi %eq3A_559, %lt3A_561 : i1
        %jit3A_563 = arith.constant 3 : i32
        %select_n3A_564 = arith.select %and3A_562, %jit3A_563, %select_n3A_539 : i32
        %select_n3A_565 = arith.select %and3A_562, %reduce_min3A_557, %select_n3A_540 : i32
        %get3A_566 = arith.index_cast %add3A_462 : i32 to index
        %get3A_567 = arith.constant 64 : index
        %get3A_568 = tpu.vector_load %arg19[%get3A_566, %get3A_567] {strides = array<i32>} : memref<32x128xf32, #tpu.memory_space<vmem>>, vector<16xf32>,
        %eq3A_569 = vector.broadcast %select_n3A_439 : f32 to vector<16xf32>
        %eq3A_570 = arith.cmpf oeq, %get3A_568, %eq3A_569 : vector<16xf32>
        %iota3A_571 = tpu.iota {dimensions = array<i32: 0>} : vector<16xi32>
        %jit3A_572 = arith.constant 99 : i32
        %broadcast_in_dim3A_573 = vector.broadcast %jit3A_572 : i32 to vector<16xi32>
        %select_n3A_574 = arith.select %eq3A_570, %iota3A_571, %broadcast_in_dim3A_573 : vector<16xi1>, vector<16xi32>
        %reduce_min3A_575 = arith.constant true
        %reduce_min3A_576 = vector.broadcast %reduce_min3A_575 : i1 to vector<16xi1>
        %reduce_min3A_577 = arith.constant -2147483648 : i32
        %reduce_min3A_578 = vector.broadcast %reduce_min3A_577 : i32 to vector<16xi32>
        %reduce_min3A_579 = arith.xori %select_n3A_574, %reduce_min3A_578 : vector<16xi32>
        %reduce_min3A_580 = tpu.scan <min>, %reduce_min3A_579 masked %reduce_min3A_576 : vector<16xi32>, vector<16xi1> -> vector<16xi32>
        %reduce_min3A_581 = arith.xori %reduce_min3A_580, %reduce_min3A_578 : vector<16xi32>
        %reduce_min3A_582 = vector.extract %reduce_min3A_581[15] : i32 from vector<16xi32>
        %eq3A_583 = arith.constant 99 : i32
        %eq3A_584 = arith.cmpi eq, %select_n3A_565, %eq3A_583 : i32
        %lt3A_585 = arith.constant 99 : i32
        %lt3A_586 = arith.cmpi slt, %reduce_min3A_582, %lt3A_585 : i32
        %and3A_587 = arith.andi %eq3A_584, %lt3A_586 : i1
        %jit3A_588 = arith.constant 4 : i32
        %select_n3A_589 = arith.select %and3A_587, %jit3A_588, %select_n3A_564 : i32
        %select_n3A_590 = arith.select %and3A_587, %reduce_min3A_582, %select_n3A_565 : i32
        %get3A_591 = arith.index_cast %add3A_462 : i32 to index
        %get3A_592 = arith.constant 80 : index
        %get3A_593 = tpu.vector_load %arg19[%get3A_591, %get3A_592] {strides = array<i32>} : memref<32x128xf32, #tpu.memory_space<vmem>>, vector<16xf32>,
        %eq3A_594 = vector.broadcast %select_n3A_439 : f32 to vector<16xf32>
        %eq3A_595 = arith.cmpf oeq, %get3A_593, %eq3A_594 : vector<16xf32>
        %iota3A_596 = tpu.iota {dimensions = array<i32: 0>} : vector<16xi32>
        %jit3A_597 = arith.constant 99 : i32
        %broadcast_in_dim3A_598 = vector.broadcast %jit3A_597 : i32 to vector<16xi32>
        %select_n3A_599 = arith.select %eq3A_595, %iota3A_596, %broadcast_in_dim3A_598 : vector<16xi1>, vector<16xi32>
        %reduce_min3A_600 = arith.constant true
        %reduce_min3A_601 = vector.broadcast %reduce_min3A_600 : i1 to vector<16xi1>
        %reduce_min3A_602 = arith.constant -2147483648 : i32
        %reduce_min3A_603 = vector.broadcast %reduce_min3A_602 : i32 to vector<16xi32>
        %reduce_min3A_604 = arith.xori %select_n3A_599, %reduce_min3A_603 : vector<16xi32>
        %reduce_min3A_605 = tpu.scan <min>, %reduce_min3A_604 masked %reduce_min3A_601 : vector<16xi32>, vector<16xi1> -> vector<16xi32>
        %reduce_min3A_606 = arith.xori %reduce_min3A_605, %reduce_min3A_603 : vector<16xi32>
        %reduce_min3A_607 = vector.extract %reduce_min3A_606[15] : i32 from vector<16xi32>
        %eq3A_608 = arith.constant 99 : i32
        %eq3A_609 = arith.cmpi eq, %select_n3A_590, %eq3A_608 : i32
        %lt3A_610 = arith.constant 99 : i32
        %lt3A_611 = arith.cmpi slt, %reduce_min3A_607, %lt3A_610 : i32
        %and3A_612 = arith.andi %eq3A_609, %lt3A_611 : i1
        %jit3A_613 = arith.constant 5 : i32
        %select_n3A_614 = arith.select %and3A_612, %jit3A_613, %select_n3A_589 : i32
        %select_n3A_615 = arith.select %and3A_612, %reduce_min3A_607, %select_n3A_590 : i32
        %get3A_616 = arith.index_cast %add3A_462 : i32 to index
        %get3A_617 = arith.constant 96 : index
        %get3A_618 = tpu.vector_load %arg19[%get3A_616, %get3A_617] {strides = array<i32>} : memref<32x128xf32, #tpu.memory_space<vmem>>, vector<16xf32>,
        %eq3A_619 = vector.broadcast %select_n3A_439 : f32 to vector<16xf32>
        %eq3A_620 = arith.cmpf oeq, %get3A_618, %eq3A_619 : vector<16xf32>
        %iota3A_621 = tpu.iota {dimensions = array<i32: 0>} : vector<16xi32>
        %jit3A_622 = arith.constant 99 : i32
        %broadcast_in_dim3A_623 = vector.broadcast %jit3A_622 : i32 to vector<16xi32>
        %select_n3A_624 = arith.select %eq3A_620, %iota3A_621, %broadcast_in_dim3A_623 : vector<16xi1>, vector<16xi32>
        %reduce_min3A_625 = arith.constant true
        %reduce_min3A_626 = vector.broadcast %reduce_min3A_625 : i1 to vector<16xi1>
        %reduce_min3A_627 = arith.constant -2147483648 : i32
        %reduce_min3A_628 = vector.broadcast %reduce_min3A_627 : i32 to vector<16xi32>
        %reduce_min3A_629 = arith.xori %select_n3A_624, %reduce_min3A_628 : vector<16xi32>
        %reduce_min3A_630 = tpu.scan <min>, %reduce_min3A_629 masked %reduce_min3A_626 : vector<16xi32>, vector<16xi1> -> vector<16xi32>
        %reduce_min3A_631 = arith.xori %reduce_min3A_630, %reduce_min3A_628 : vector<16xi32>
        %reduce_min3A_632 = vector.extract %reduce_min3A_631[15] : i32 from vector<16xi32>
        %eq3A_633 = arith.constant 99 : i32
        %eq3A_634 = arith.cmpi eq, %select_n3A_615, %eq3A_633 : i32
        %lt3A_635 = arith.constant 99 : i32
        %lt3A_636 = arith.cmpi slt, %reduce_min3A_632, %lt3A_635 : i32
        %and3A_637 = arith.andi %eq3A_634, %lt3A_636 : i1
        %jit3A_638 = arith.constant 6 : i32
        %select_n3A_639 = arith.select %and3A_637, %jit3A_638, %select_n3A_614 : i32
        %select_n3A_640 = arith.select %and3A_637, %reduce_min3A_632, %select_n3A_615 : i32
        %get3A_641 = arith.index_cast %add3A_462 : i32 to index
        %get3A_642 = arith.constant 112 : index
        %get3A_643 = tpu.vector_load %arg19[%get3A_641, %get3A_642] {strides = array<i32>} : memref<32x128xf32, #tpu.memory_space<vmem>>, vector<16xf32>,
        %eq3A_644 = vector.broadcast %select_n3A_439 : f32 to vector<16xf32>
        %eq3A_645 = arith.cmpf oeq, %get3A_643, %eq3A_644 : vector<16xf32>
        %iota3A_646 = tpu.iota {dimensions = array<i32: 0>} : vector<16xi32>
        %jit3A_647 = arith.constant 99 : i32
        %broadcast_in_dim3A_648 = vector.broadcast %jit3A_647 : i32 to vector<16xi32>
        %select_n3A_649 = arith.select %eq3A_645, %iota3A_646, %broadcast_in_dim3A_648 : vector<16xi1>, vector<16xi32>
        %reduce_min3A_650 = arith.constant true
        %reduce_min3A_651 = vector.broadcast %reduce_min3A_650 : i1 to vector<16xi1>
        %reduce_min3A_652 = arith.constant -2147483648 : i32
        %reduce_min3A_653 = vector.broadcast %reduce_min3A_652 : i32 to vector<16xi32>
        %reduce_min3A_654 = arith.xori %select_n3A_649, %reduce_min3A_653 : vector<16xi32>
        %reduce_min3A_655 = tpu.scan <min>, %reduce_min3A_654 masked %reduce_min3A_651 : vector<16xi32>, vector<16xi1> -> vector<16xi32>
        %reduce_min3A_656 = arith.xori %reduce_min3A_655, %reduce_min3A_653 : vector<16xi32>
        %reduce_min3A_657 = vector.extract %reduce_min3A_656[15] : i32 from vector<16xi32>
        %eq3A_658 = arith.constant 99 : i32
        %eq3A_659 = arith.cmpi eq, %select_n3A_640, %eq3A_658 : i32
        %lt3A_660 = arith.constant 99 : i32
        %lt3A_661 = arith.cmpi slt, %reduce_min3A_657, %lt3A_660 : i32
        %and3A_662 = arith.andi %eq3A_659, %lt3A_661 : i1
        %jit3A_663 = arith.constant 7 : i32
        %select_n3A_664 = arith.select %and3A_662, %jit3A_663, %select_n3A_639 : i32
        %select_n3A_665 = arith.select %and3A_662, %reduce_min3A_657, %select_n3A_640 : i32
        %mul3A_666 = arith.constant 16 : i32
        %mul3A_667 = arith.muli %select_n3A_664, %mul3A_666 : i32
        %add3A_668 = arith.addi %mul3A_667, %select_n3A_665 : i32
        %broadcast_in_dim3A_669 = vector.broadcast %scan3A_419 : i32 to vector<16xi32>
        %broadcast_in_dim3A_670 = vector.broadcast %select_n3A_439 : f32 to vector<16xf32>
        %iota3A_671 = tpu.iota {dimensions = array<i32: 0>} : vector<16xi32>
        %eq3A_672 = arith.constant 0 : i32
        %eq3A_673 = vector.broadcast %eq3A_672 : i32 to vector<16xi32>
        %eq3A_674 = arith.cmpi eq, %iota3A_671, %eq3A_673 : vector<16xi32>
        tpu.vector_store_idx %arg13[%broadcast_in_dim3A_669], %broadcast_in_dim3A_670 masked %eq3A_674 : memref<32xf32, #tpu.memory_space<vmem>>[vector<16xi32>], vector<16xf32>, vector<16xi1>
        %broadcast_in_dim3A_675 = vector.broadcast %add3A_462 : i32 to vector<16xi32>
        %gather3A_676 = tpu.vector_load_idx %arg12[%broadcast_in_dim3A_675] : memref<32xi32, #tpu.memory_space<vmem>>[vector<16xi32>], vector<16xi32>,
        %slice3A_677 = vector.extract_strided_slice %gather3A_676 {offsets = [0], sizes = [1], strides = [1]} : vector<16xi32> to vector<1xi32>
        %squeeze3A_678 = vector.extract %slice3A_677[0] : i32 from vector<1xi32>
        %mul3A_679 = arith.constant 128 : i32
        %mul3A_680 = arith.muli %squeeze3A_678, %mul3A_679 : i32
        %add3A_681 = arith.addi %mul3A_680, %add3A_668 : i32
        %broadcast_in_dim3A_682 = vector.broadcast %scan3A_419 : i32 to vector<16xi32>
        %broadcast_in_dim3A_683 = vector.broadcast %add3A_681 : i32 to vector<16xi32>
        %iota3A_684 = tpu.iota {dimensions = array<i32: 0>} : vector<16xi32>
        %eq3A_685 = arith.constant 0 : i32
        %eq3A_686 = vector.broadcast %eq3A_685 : i32 to vector<16xi32>
        %eq3A_687 = arith.cmpi eq, %iota3A_684, %eq3A_686 : vector<16xi32>
        tpu.vector_store_idx %arg14[%broadcast_in_dim3A_682], %broadcast_in_dim3A_683 masked %eq3A_687 : memref<32xi32, #tpu.memory_space<vmem>>[vector<16xi32>], vector<16xi32>, vector<16xi1>
        %broadcast_in_dim3A_688 = vector.broadcast %scan3A_419 : i32 to vector<16xi32>
        %broadcast_in_dim3A_689 = vector.broadcast %add3A_462 : i32 to vector<16xi32>
        %iota3A_690 = tpu.iota {dimensions = array<i32: 0>} : vector<16xi32>
        %eq3A_691 = arith.constant 0 : i32
        %eq3A_692 = vector.broadcast %eq3A_691 : i32 to vector<16xi32>
        %eq3A_693 = arith.cmpi eq, %iota3A_690, %eq3A_692 : vector<16xi32>
        tpu.vector_store_idx %arg15[%broadcast_in_dim3A_688], %broadcast_in_dim3A_689 masked %eq3A_693 : memref<32xi32, #tpu.memory_space<vmem>>[vector<16xi32>], vector<16xi32>, vector<16xi1>
        %broadcast_in_dim3A_694 = vector.broadcast %scan3A_419 : i32 to vector<16xi32>
        %broadcast_in_dim3A_695 = vector.broadcast %add3A_668 : i32 to vector<16xi32>
        %iota3A_696 = tpu.iota {dimensions = array<i32: 0>} : vector<16xi32>
        %eq3A_697 = arith.constant 0 : i32
        %eq3A_698 = vector.broadcast %eq3A_697 : i32 to vector<16xi32>
        %eq3A_699 = arith.cmpi eq, %iota3A_696, %eq3A_698 : vector<16xi32>
        tpu.vector_store_idx %arg16[%broadcast_in_dim3A_694], %broadcast_in_dim3A_695 masked %eq3A_699 : memref<32xi32, #tpu.memory_space<vmem>>[vector<16xi32>], vector<16xi32>, vector<16xi1>
        %broadcast_in_dim3A_700 = vector.broadcast %add3A_462 : i32 to vector<16xi32>
        %broadcast_in_dim3A_701 = vector.broadcast %add3A_668 : i32 to vector<16xi32>
        %broadcast_in_dim3A_702 = arith.constant 0xFF800000 : f32
        %broadcast_in_dim3A_703 = vector.broadcast %broadcast_in_dim3A_702 : f32 to vector<16xf32>
        %iota3A_704 = tpu.iota {dimensions = array<i32: 0>} : vector<16xi32>
        %eq3A_705 = arith.constant 0 : i32
        %eq3A_706 = vector.broadcast %eq3A_705 : i32 to vector<16xi32>
        %eq3A_707 = arith.cmpi eq, %iota3A_704, %eq3A_706 : vector<16xi32>
        tpu.vector_store_idx %arg19[%broadcast_in_dim3A_700, %broadcast_in_dim3A_701], %broadcast_in_dim3A_703 masked %eq3A_707 : memref<32x128xf32, #tpu.memory_space<vmem>>[vector<16xi32>, vector<16xi32>], vector<16xf32>, vector<16xi1>
        %get3A_708 = arith.index_cast %add3A_462 : i32 to index
        %get3A_709 = arith.constant 0 : index
        %get3A_710 = tpu.vector_load %arg19[%get3A_708, %get3A_709] {strides = array<i32>} : memref<32x128xf32, #tpu.memory_space<vmem>>, vector<16xf32>,
        %reduce_max3A_711 = arith.constant true
        %reduce_max3A_712 = vector.broadcast %reduce_max3A_711 : i1 to vector<16xi1>
        %reduce_max3A_713 = tpu.scan <max>, %get3A_710 masked %reduce_max3A_712 : vector<16xf32>, vector<16xi1> -> vector<16xf32>
        %reduce_max3A_714 = vector.extract %reduce_max3A_713[15] : f32 from vector<16xf32>
        %max3A_715 = arith.constant 0xFF800000 : f32
        %max3A_716 = arith.maximumf %max3A_715, %reduce_max3A_714 : f32
        %get3A_717 = arith.index_cast %add3A_462 : i32 to index
        %get3A_718 = arith.constant 16 : index
        %get3A_719 = tpu.vector_load %arg19[%get3A_717, %get3A_718] {strides = array<i32>} : memref<32x128xf32, #tpu.memory_space<vmem>>, vector<16xf32>,
        %reduce_max3A_720 = arith.constant true
        %reduce_max3A_721 = vector.broadcast %reduce_max3A_720 : i1 to vector<16xi1>
        %reduce_max3A_722 = tpu.scan <max>, %get3A_719 masked %reduce_max3A_721 : vector<16xf32>, vector<16xi1> -> vector<16xf32>
        %reduce_max3A_723 = vector.extract %reduce_max3A_722[15] : f32 from vector<16xf32>
        %max3A_724 = arith.maximumf %max3A_716, %reduce_max3A_723 : f32
        %get3A_725 = arith.index_cast %add3A_462 : i32 to index
        %get3A_726 = arith.constant 32 : index
        %get3A_727 = tpu.vector_load %arg19[%get3A_725, %get3A_726] {strides = array<i32>} : memref<32x128xf32, #tpu.memory_space<vmem>>, vector<16xf32>,
        %reduce_max3A_728 = arith.constant true
        %reduce_max3A_729 = vector.broadcast %reduce_max3A_728 : i1 to vector<16xi1>
        %reduce_max3A_730 = tpu.scan <max>, %get3A_727 masked %reduce_max3A_729 : vector<16xf32>, vector<16xi1> -> vector<16xf32>
        %reduce_max3A_731 = vector.extract %reduce_max3A_730[15] : f32 from vector<16xf32>
        %max3A_732 = arith.maximumf %max3A_724, %reduce_max3A_731 : f32
        %get3A_733 = arith.index_cast %add3A_462 : i32 to index
        %get3A_734 = arith.constant 48 : index
        %get3A_735 = tpu.vector_load %arg19[%get3A_733, %get3A_734] {strides = array<i32>} : memref<32x128xf32, #tpu.memory_space<vmem>>, vector<16xf32>,
        %reduce_max3A_736 = arith.constant true
        %reduce_max3A_737 = vector.broadcast %reduce_max3A_736 : i1 to vector<16xi1>
        %reduce_max3A_738 = tpu.scan <max>, %get3A_735 masked %reduce_max3A_737 : vector<16xf32>, vector<16xi1> -> vector<16xf32>
        %reduce_max3A_739 = vector.extract %reduce_max3A_738[15] : f32 from vector<16xf32>
        %max3A_740 = arith.maximumf %max3A_732, %reduce_max3A_739 : f32
        %get3A_741 = arith.index_cast %add3A_462 : i32 to index
        %get3A_742 = arith.constant 64 : index
        %get3A_743 = tpu.vector_load %arg19[%get3A_741, %get3A_742] {strides = array<i32>} : memref<32x128xf32, #tpu.memory_space<vmem>>, vector<16xf32>,
        %reduce_max3A_744 = arith.constant true
        %reduce_max3A_745 = vector.broadcast %reduce_max3A_744 : i1 to vector<16xi1>
        %reduce_max3A_746 = tpu.scan <max>, %get3A_743 masked %reduce_max3A_745 : vector<16xf32>, vector<16xi1> -> vector<16xf32>
        %reduce_max3A_747 = vector.extract %reduce_max3A_746[15] : f32 from vector<16xf32>
        %max3A_748 = arith.maximumf %max3A_740, %reduce_max3A_747 : f32
        %get3A_749 = arith.index_cast %add3A_462 : i32 to index
        %get3A_750 = arith.constant 80 : index
        %get3A_751 = tpu.vector_load %arg19[%get3A_749, %get3A_750] {strides = array<i32>} : memref<32x128xf32, #tpu.memory_space<vmem>>, vector<16xf32>,
        %reduce_max3A_752 = arith.constant true
        %reduce_max3A_753 = vector.broadcast %reduce_max3A_752 : i1 to vector<16xi1>
        %reduce_max3A_754 = tpu.scan <max>, %get3A_751 masked %reduce_max3A_753 : vector<16xf32>, vector<16xi1> -> vector<16xf32>
        %reduce_max3A_755 = vector.extract %reduce_max3A_754[15] : f32 from vector<16xf32>
        %max3A_756 = arith.maximumf %max3A_748, %reduce_max3A_755 : f32
        %get3A_757 = arith.index_cast %add3A_462 : i32 to index
        %get3A_758 = arith.constant 96 : index
        %get3A_759 = tpu.vector_load %arg19[%get3A_757, %get3A_758] {strides = array<i32>} : memref<32x128xf32, #tpu.memory_space<vmem>>, vector<16xf32>,
        %reduce_max3A_760 = arith.constant true
        %reduce_max3A_761 = vector.broadcast %reduce_max3A_760 : i1 to vector<16xi1>
        %reduce_max3A_762 = tpu.scan <max>, %get3A_759 masked %reduce_max3A_761 : vector<16xf32>, vector<16xi1> -> vector<16xf32>
        %reduce_max3A_763 = vector.extract %reduce_max3A_762[15] : f32 from vector<16xf32>
        %max3A_764 = arith.maximumf %max3A_756, %reduce_max3A_763 : f32
        %get3A_765 = arith.index_cast %add3A_462 : i32 to index
        %get3A_766 = arith.constant 112 : index
        %get3A_767 = tpu.vector_load %arg19[%get3A_765, %get3A_766] {strides = array<i32>} : memref<32x128xf32, #tpu.memory_space<vmem>>, vector<16xf32>,
        %reduce_max3A_768 = arith.constant true
        %reduce_max3A_769 = vector.broadcast %reduce_max3A_768 : i1 to vector<16xi1>
        %reduce_max3A_770 = tpu.scan <max>, %get3A_767 masked %reduce_max3A_769 : vector<16xf32>, vector<16xi1> -> vector<16xf32>
        %reduce_max3A_771 = vector.extract %reduce_max3A_770[15] : f32 from vector<16xf32>
        %max3A_772 = arith.maximumf %max3A_764, %reduce_max3A_771 : f32
        %broadcast_in_dim3A_773 = vector.broadcast %add3A_462 : i32 to vector<16xi32>
        %broadcast_in_dim3A_774 = vector.broadcast %max3A_772 : f32 to vector<16xf32>
        %iota3A_775 = tpu.iota {dimensions = array<i32: 0>} : vector<16xi32>
        %eq3A_776 = arith.constant 0 : i32
        %eq3A_777 = vector.broadcast %eq3A_776 : i32 to vector<16xi32>
        %eq3A_778 = arith.cmpi eq, %iota3A_775, %eq3A_777 : vector<16xi32>
        tpu.vector_store_idx %arg11[%broadcast_in_dim3A_773], %broadcast_in_dim3A_774 masked %eq3A_778 : memref<32xf32, #tpu.memory_space<vmem>>[vector<16xi32>], vector<16xf32>, vector<16xi1>
      }
      %scan3A_94 = arith.constant 32 : i32
      %dma_wait3A_95 = arith.constant 0 : i32
      %dma_wait3A_96 = arith.constant 0 : i32
      %dma_wait3A_97 = tpu.memref_slice %arg2[%dma_wait3A_95, %dma_wait3A_96] : memref<192000x128xf32, #tpu.memory_space<hbm>> -> memref<192000x128xf32, #tpu.memory_space<hbm>>
      tpu.wait_indirect_dma semaphore(%arg29 : memref<!tpu.dma_semaphore, #tpu.memory_space<semaphore_mem>>) src(%dma_wait3A_97 : memref<192000x128xf32, #tpu.memory_space<hbm>>) dst(%arg20 : memref<32x128xf32, #tpu.memory_space<vmem>>)
      %get3A_98 = arith.constant 0 : index
      %get3A_99 = tpu.vector_load %arg15[%get3A_98] {strides = array<i32>} : memref<32xi32, #tpu.memory_space<vmem>>, vector<16xi32>,
      %get3A_100 = arith.constant 0 : index
      %get3A_101 = tpu.vector_load %arg16[%get3A_100] {strides = array<i32>} : memref<32xi32, #tpu.memory_space<vmem>>, vector<16xi32>,
      %gather3A = tpu.vector_load_idx %arg20[%get3A_99, %get3A_101] : memref<32x128xf32, #tpu.memory_space<vmem>>[vector<16xi32>, vector<16xi32>], vector<16xf32>,
      %get3A_102 = arith.constant 16 : index
      %get3A_103 = tpu.vector_load %arg15[%get3A_102] {strides = array<i32>} : memref<32xi32, #tpu.memory_space<vmem>>, vector<16xi32>,
      %get3A_104 = arith.constant 16 : index
      %get3A_105 = tpu.vector_load %arg16[%get3A_104] {strides = array<i32>} : memref<32xi32, #tpu.memory_space<vmem>>, vector<16xi32>,
      %gather3A_106 = tpu.vector_load_idx %arg20[%get3A_103, %get3A_105] : memref<32x128xf32, #tpu.memory_space<vmem>>[vector<16xi32>, vector<16xi32>], vector<16xf32>,
      %get3A_107 = arith.constant 0 : index
      %get3A_108 = tpu.vector_load %arg13[%get3A_107] {strides = array<i32>} : memref<32xf32, #tpu.memory_space<vmem>>, vector<16xf32>,
      %add3A_109 = arith.addf %get3A_108, %gather3A : vector<16xf32>
      %get3A_110 = arith.constant 16 : index
      %get3A_111 = tpu.vector_load %arg13[%get3A_110] {strides = array<i32>} : memref<32xf32, #tpu.memory_space<vmem>>, vector<16xf32>,
      %add3A_112 = arith.addf %get3A_111, %gather3A_106 : vector<16xf32>
      %reduce_max3A = arith.constant true
      %reduce_max3A_113 = vector.broadcast %reduce_max3A : i1 to vector<16xi1>
      %reduce_max3A_114 = tpu.scan <max>, %add3A_109 masked %reduce_max3A_113 : vector<16xf32>, vector<16xi1> -> vector<16xf32>
      %reduce_max3A_115 = vector.extract %reduce_max3A_114[15] : f32 from vector<16xf32>
      %reduce_max3A_116 = arith.constant true
      %reduce_max3A_117 = vector.broadcast %reduce_max3A_116 : i1 to vector<16xi1>
      %reduce_max3A_118 = tpu.scan <max>, %add3A_112 masked %reduce_max3A_117 : vector<16xf32>, vector<16xi1> -> vector<16xf32>
      %reduce_max3A_119 = vector.extract %reduce_max3A_118[15] : f32 from vector<16xf32>
      %max3A = arith.maximumf %reduce_max3A_115, %reduce_max3A_119 : f32
      %ge3A = arith.cmpf oge, %reduce_max3A_115, %reduce_max3A_119 : f32
      %eq3A = vector.broadcast %max3A : f32 to vector<16xf32>
      %eq3A_120 = arith.cmpf oeq, %add3A_109, %eq3A : vector<16xf32>
      %iota3A = tpu.iota {dimensions = array<i32: 0>} : vector<16xi32>
      %jit3A = arith.constant 99 : i32
      %broadcast_in_dim3A_121 = vector.broadcast %jit3A : i32 to vector<16xi32>
      %select_n3A = arith.select %eq3A_120, %iota3A, %broadcast_in_dim3A_121 : vector<16xi1>, vector<16xi32>
      %reduce_min3A = arith.constant true
      %reduce_min3A_122 = vector.broadcast %reduce_min3A : i1 to vector<16xi1>
      %reduce_min3A_123 = arith.constant -2147483648 : i32
      %reduce_min3A_124 = vector.broadcast %reduce_min3A_123 : i32 to vector<16xi32>
      %reduce_min3A_125 = arith.xori %select_n3A, %reduce_min3A_124 : vector<16xi32>
      %reduce_min3A_126 = tpu.scan <min>, %reduce_min3A_125 masked %reduce_min3A_122 : vector<16xi32>, vector<16xi1> -> vector<16xi32>
      %reduce_min3A_127 = arith.xori %reduce_min3A_126, %reduce_min3A_124 : vector<16xi32>
      %reduce_min3A_128 = vector.extract %reduce_min3A_127[15] : i32 from vector<16xi32>
      %eq3A_129 = vector.broadcast %max3A : f32 to vector<16xf32>
      %eq3A_130 = arith.cmpf oeq, %add3A_112, %eq3A_129 : vector<16xf32>
      %iota3A_131 = tpu.iota {dimensions = array<i32: 0>} : vector<16xi32>
      %jit3A_132 = arith.constant 99 : i32
      %broadcast_in_dim3A_133 = vector.broadcast %jit3A_132 : i32 to vector<16xi32>
      %select_n3A_134 = arith.select %eq3A_130, %iota3A_131, %broadcast_in_dim3A_133 : vector<16xi1>, vector<16xi32>
      %reduce_min3A_135 = arith.constant true
      %reduce_min3A_136 = vector.broadcast %reduce_min3A_135 : i1 to vector<16xi1>
      %reduce_min3A_137 = arith.constant -2147483648 : i32
      %reduce_min3A_138 = vector.broadcast %reduce_min3A_137 : i32 to vector<16xi32>
      %reduce_min3A_139 = arith.xori %select_n3A_134, %reduce_min3A_138 : vector<16xi32>
      %reduce_min3A_140 = tpu.scan <min>, %reduce_min3A_139 masked %reduce_min3A_136 : vector<16xi32>, vector<16xi1> -> vector<16xi32>
      %reduce_min3A_141 = arith.xori %reduce_min3A_140, %reduce_min3A_138 : vector<16xi32>
      %reduce_min3A_142 = vector.extract %reduce_min3A_141[15] : i32 from vector<16xi32>
      %add3A_143 = arith.constant 16 : i32
      %add3A_144 = arith.addi %add3A_143, %reduce_min3A_142 : i32
      %select_n3A_145 = arith.select %ge3A, %reduce_min3A_128, %add3A_144 : i32
      %broadcast_in_dim3A_146 = vector.broadcast %select_n3A_145 : i32 to vector<16xi32>
      %gather3A_147 = tpu.vector_load_idx %arg13[%broadcast_in_dim3A_146] : memref<32xf32, #tpu.memory_space<vmem>>[vector<16xi32>], vector<16xf32>,
      %slice3A = vector.extract_strided_slice %gather3A_147 {offsets = [0], sizes = [1], strides = [1]} : vector<16xf32> to vector<1xf32>
      %squeeze3A = vector.extract %slice3A[0] : f32 from vector<1xf32>
      %add3A_148 = arith.constant 0.000000e+00 : f32
      %add3A_149 = arith.addf %add3A_148, %squeeze3A : f32
      %iota3A_150 = tpu.iota {dimensions = array<i32: 0>} : vector<16xi32>
      %eq3A_151 = vector.broadcast %reduce_min3A_128 : i32 to vector<16xi32>
      %eq3A_152 = arith.cmpi eq, %iota3A_150, %eq3A_151 : vector<16xi32>
      %and3A = vector.broadcast %ge3A : i1 to vector<16xi1>
      %and3A_153 = arith.andi %and3A, %eq3A_152 : vector<16xi1>
      %jit3A_154 = arith.constant 0xFF800000 : f32
      %broadcast_in_dim3A_155 = vector.broadcast %jit3A_154 : f32 to vector<16xf32>
      %select_n3A_156 = arith.select %and3A_153, %broadcast_in_dim3A_155, %add3A_109 : vector<16xi1>, vector<16xf32>
      %not3A = arith.constant true
      %not3A_157 = arith.xori %ge3A, %not3A : i1
      %iota3A_158 = tpu.iota {dimensions = array<i32: 0>} : vector<16xi32>
      %eq3A_159 = vector.broadcast %reduce_min3A_142 : i32 to vector<16xi32>
      %eq3A_160 = arith.cmpi eq, %iota3A_158, %eq3A_159 : vector<16xi32>
      %and3A_161 = vector.broadcast %not3A_157 : i1 to vector<16xi1>
      %and3A_162 = arith.andi %and3A_161, %eq3A_160 : vector<16xi1>
      %jit3A_163 = arith.constant 0xFF800000 : f32
      %broadcast_in_dim3A_164 = vector.broadcast %jit3A_163 : f32 to vector<16xf32>
      %select_n3A_165 = arith.select %and3A_162, %broadcast_in_dim3A_164, %add3A_112 : vector<16xi1>, vector<16xf32>
      %reduce_max3A_166 = arith.constant true
      %reduce_max3A_167 = vector.broadcast %reduce_max3A_166 : i1 to vector<16xi1>
      %reduce_max3A_168 = tpu.scan <max>, %select_n3A_156 masked %reduce_max3A_167 : vector<16xf32>, vector<16xi1> -> vector<16xf32>
      %reduce_max3A_169 = vector.extract %reduce_max3A_168[15] : f32 from vector<16xf32>
      %reduce_max3A_170 = arith.constant true
      %reduce_max3A_171 = vector.broadcast %reduce_max3A_170 : i1 to vector<16xi1>
      %reduce_max3A_172 = tpu.scan <max>, %select_n3A_165 masked %reduce_max3A_171 : vector<16xf32>, vector<16xi1> -> vector<16xf32>
      %reduce_max3A_173 = vector.extract %reduce_max3A_172[15] : f32 from vector<16xf32>
      %max3A_174 = arith.maximumf %reduce_max3A_169, %reduce_max3A_173 : f32
      %ge3A_175 = arith.cmpf oge, %reduce_max3A_169, %reduce_max3A_173 : f32
      %eq3A_176 = vector.broadcast %max3A_174 : f32 to vector<16xf32>
      %eq3A_177 = arith.cmpf oeq, %select_n3A_156, %eq3A_176 : vector<16xf32>
      %iota3A_178 = tpu.iota {dimensions = array<i32: 0>} : vector<16xi32>
      %jit3A_179 = arith.constant 99 : i32
      %broadcast_in_dim3A_180 = vector.broadcast %jit3A_179 : i32 to vector<16xi32>
      %select_n3A_181 = arith.select %eq3A_177, %iota3A_178, %broadcast_in_dim3A_180 : vector<16xi1>, vector<16xi32>
      %reduce_min3A_182 = arith.constant true
      %reduce_min3A_183 = vector.broadcast %reduce_min3A_182 : i1 to vector<16xi1>
      %reduce_min3A_184 = arith.constant -2147483648 : i32
      %reduce_min3A_185 = vector.broadcast %reduce_min3A_184 : i32 to vector<16xi32>
      %reduce_min3A_186 = arith.xori %select_n3A_181, %reduce_min3A_185 : vector<16xi32>
      %reduce_min3A_187 = tpu.scan <min>, %reduce_min3A_186 masked %reduce_min3A_183 : vector<16xi32>, vector<16xi1> -> vector<16xi32>
      %reduce_min3A_188 = arith.xori %reduce_min3A_187, %reduce_min3A_185 : vector<16xi32>
      %reduce_min3A_189 = vector.extract %reduce_min3A_188[15] : i32 from vector<16xi32>
      %eq3A_190 = vector.broadcast %max3A_174 : f32 to vector<16xf32>
      %eq3A_191 = arith.cmpf oeq, %select_n3A_165, %eq3A_190 : vector<16xf32>
      %iota3A_192 = tpu.iota {dimensions = array<i32: 0>} : vector<16xi32>
      %jit3A_193 = arith.constant 99 : i32
      %broadcast_in_dim3A_194 = vector.broadcast %jit3A_193 : i32 to vector<16xi32>
      %select_n3A_195 = arith.select %eq3A_191, %iota3A_192, %broadcast_in_dim3A_194 : vector<16xi1>, vector<16xi32>
      %reduce_min3A_196 = arith.constant true
      %reduce_min3A_197 = vector.broadcast %reduce_min3A_196 : i1 to vector<16xi1>
      %reduce_min3A_198 = arith.constant -2147483648 : i32
      %reduce_min3A_199 = vector.broadcast %reduce_min3A_198 : i32 to vector<16xi32>
      %reduce_min3A_200 = arith.xori %select_n3A_195, %reduce_min3A_199 : vector<16xi32>
      %reduce_min3A_201 = tpu.scan <min>, %reduce_min3A_200 masked %reduce_min3A_197 : vector<16xi32>, vector<16xi1> -> vector<16xi32>
      %reduce_min3A_202 = arith.xori %reduce_min3A_201, %reduce_min3A_199 : vector<16xi32>
      %reduce_min3A_203 = vector.extract %reduce_min3A_202[15] : i32 from vector<16xi32>
      %add3A_204 = arith.constant 16 : i32
      %add3A_205 = arith.addi %add3A_204, %reduce_min3A_203 : i32
      %select_n3A_206 = arith.select %ge3A_175, %reduce_min3A_189, %add3A_205 : i32
      %broadcast_in_dim3A_207 = vector.broadcast %select_n3A_206 : i32 to vector<16xi32>
      %gather3A_208 = tpu.vector_load_idx %arg13[%broadcast_in_dim3A_207] : memref<32xf32, #tpu.memory_space<vmem>>[vector<16xi32>], vector<16xf32>,
      %slice3A_209 = vector.extract_strided_slice %gather3A_208 {offsets = [0], sizes = [1], strides = [1]} : vector<16xf32> to vector<1xf32>
      %squeeze3A_210 = vector.extract %slice3A_209[0] : f32 from vector<1xf32>
      %add3A_211 = arith.addf %add3A_149, %squeeze3A_210 : f32
      %iota3A_212 = tpu.iota {dimensions = array<i32: 0>} : vector<16xi32>
      %eq3A_213 = vector.broadcast %reduce_min3A_189 : i32 to vector<16xi32>
      %eq3A_214 = arith.cmpi eq, %iota3A_212, %eq3A_213 : vector<16xi32>
      %and3A_215 = vector.broadcast %ge3A_175 : i1 to vector<16xi1>
      %and3A_216 = arith.andi %and3A_215, %eq3A_214 : vector<16xi1>
      %jit3A_217 = arith.constant 0xFF800000 : f32
      %broadcast_in_dim3A_218 = vector.broadcast %jit3A_217 : f32 to vector<16xf32>
      %select_n3A_219 = arith.select %and3A_216, %broadcast_in_dim3A_218, %select_n3A_156 : vector<16xi1>, vector<16xf32>
      %not3A_220 = arith.constant true
      %not3A_221 = arith.xori %ge3A_175, %not3A_220 : i1
      %iota3A_222 = tpu.iota {dimensions = array<i32: 0>} : vector<16xi32>
      %eq3A_223 = vector.broadcast %reduce_min3A_203 : i32 to vector<16xi32>
      %eq3A_224 = arith.cmpi eq, %iota3A_222, %eq3A_223 : vector<16xi32>
      %and3A_225 = vector.broadcast %not3A_221 : i1 to vector<16xi1>
      %and3A_226 = arith.andi %and3A_225, %eq3A_224 : vector<16xi1>
      %jit3A_227 = arith.constant 0xFF800000 : f32
      %broadcast_in_dim3A_228 = vector.broadcast %jit3A_227 : f32 to vector<16xf32>
      %select_n3A_229 = arith.select %and3A_226, %broadcast_in_dim3A_228, %select_n3A_165 : vector<16xi1>, vector<16xf32>
      %reduce_max3A_230 = arith.constant true
      %reduce_max3A_231 = vector.broadcast %reduce_max3A_230 : i1 to vector<16xi1>
      %reduce_max3A_232 = tpu.scan <max>, %select_n3A_219 masked %reduce_max3A_231 : vector<16xf32>, vector<16xi1> -> vector<16xf32>
      %reduce_max3A_233 = vector.extract %reduce_max3A_232[15] : f32 from vector<16xf32>
      %reduce_max3A_234 = arith.constant true
      %reduce_max3A_235 = vector.broadcast %reduce_max3A_234 : i1 to vector<16xi1>
      %reduce_max3A_236 = tpu.scan <max>, %select_n3A_229 masked %reduce_max3A_235 : vector<16xf32>, vector<16xi1> -> vector<16xf32>
      %reduce_max3A_237 = vector.extract %reduce_max3A_236[15] : f32 from vector<16xf32>
      %max3A_238 = arith.maximumf %reduce_max3A_233, %reduce_max3A_237 : f32
      %ge3A_239 = arith.cmpf oge, %reduce_max3A_233, %reduce_max3A_237 : f32
      %eq3A_240 = vector.broadcast %max3A_238 : f32 to vector<16xf32>
      %eq3A_241 = arith.cmpf oeq, %select_n3A_219, %eq3A_240 : vector<16xf32>
      %iota3A_242 = tpu.iota {dimensions = array<i32: 0>} : vector<16xi32>
      %jit3A_243 = arith.constant 99 : i32
      %broadcast_in_dim3A_244 = vector.broadcast %jit3A_243 : i32 to vector<16xi32>
      %select_n3A_245 = arith.select %eq3A_241, %iota3A_242, %broadcast_in_dim3A_244 : vector<16xi1>, vector<16xi32>
      %reduce_min3A_246 = arith.constant true
      %reduce_min3A_247 = vector.broadcast %reduce_min3A_246 : i1 to vector<16xi1>
      %reduce_min3A_248 = arith.constant -2147483648 : i32
      %reduce_min3A_249 = vector.broadcast %reduce_min3A_248 : i32 to vector<16xi32>
      %reduce_min3A_250 = arith.xori %select_n3A_245, %reduce_min3A_249 : vector<16xi32>
      %reduce_min3A_251 = tpu.scan <min>, %reduce_min3A_250 masked %reduce_min3A_247 : vector<16xi32>, vector<16xi1> -> vector<16xi32>
      %reduce_min3A_252 = arith.xori %reduce_min3A_251, %reduce_min3A_249 : vector<16xi32>
      %reduce_min3A_253 = vector.extract %reduce_min3A_252[15] : i32 from vector<16xi32>
      %eq3A_254 = vector.broadcast %max3A_238 : f32 to vector<16xf32>
      %eq3A_255 = arith.cmpf oeq, %select_n3A_229, %eq3A_254 : vector<16xf32>
      %iota3A_256 = tpu.iota {dimensions = array<i32: 0>} : vector<16xi32>
      %jit3A_257 = arith.constant 99 : i32
      %broadcast_in_dim3A_258 = vector.broadcast %jit3A_257 : i32 to vector<16xi32>
      %select_n3A_259 = arith.select %eq3A_255, %iota3A_256, %broadcast_in_dim3A_258 : vector<16xi1>, vector<16xi32>
      %reduce_min3A_260 = arith.constant true
      %reduce_min3A_261 = vector.broadcast %reduce_min3A_260 : i1 to vector<16xi1>
      %reduce_min3A_262 = arith.constant -2147483648 : i32
      %reduce_min3A_263 = vector.broadcast %reduce_min3A_262 : i32 to vector<16xi32>
      %reduce_min3A_264 = arith.xori %select_n3A_259, %reduce_min3A_263 : vector<16xi32>
      %reduce_min3A_265 = tpu.scan <min>, %reduce_min3A_264 masked %reduce_min3A_261 : vector<16xi32>, vector<16xi1> -> vector<16xi32>
      %reduce_min3A_266 = arith.xori %reduce_min3A_265, %reduce_min3A_263 : vector<16xi32>
      %reduce_min3A_267 = vector.extract %reduce_min3A_266[15] : i32 from vector<16xi32>
      %add3A_268 = arith.constant 16 : i32
      %add3A_269 = arith.addi %add3A_268, %reduce_min3A_267 : i32
      %select_n3A_270 = arith.select %ge3A_239, %reduce_min3A_253, %add3A_269 : i32
      %broadcast_in_dim3A_271 = vector.broadcast %select_n3A_270 : i32 to vector<16xi32>
      %gather3A_272 = tpu.vector_load_idx %arg13[%broadcast_in_dim3A_271] : memref<32xf32, #tpu.memory_space<vmem>>[vector<16xi32>], vector<16xf32>,
      %slice3A_273 = vector.extract_strided_slice %gather3A_272 {offsets = [0], sizes = [1], strides = [1]} : vector<16xf32> to vector<1xf32>
      %squeeze3A_274 = vector.extract %slice3A_273[0] : f32 from vector<1xf32>
      %add3A_275 = arith.addf %add3A_211, %squeeze3A_274 : f32
      %iota3A_276 = tpu.iota {dimensions = array<i32: 0>} : vector<16xi32>
      %eq3A_277 = vector.broadcast %reduce_min3A_253 : i32 to vector<16xi32>
      %eq3A_278 = arith.cmpi eq, %iota3A_276, %eq3A_277 : vector<16xi32>
      %and3A_279 = vector.broadcast %ge3A_239 : i1 to vector<16xi1>
      %and3A_280 = arith.andi %and3A_279, %eq3A_278 : vector<16xi1>
      %jit3A_281 = arith.constant 0xFF800000 : f32
      %broadcast_in_dim3A_282 = vector.broadcast %jit3A_281 : f32 to vector<16xf32>
      %select_n3A_283 = arith.select %and3A_280, %broadcast_in_dim3A_282, %select_n3A_219 : vector<16xi1>, vector<16xf32>
      %not3A_284 = arith.constant true
      %not3A_285 = arith.xori %ge3A_239, %not3A_284 : i1
      %iota3A_286 = tpu.iota {dimensions = array<i32: 0>} : vector<16xi32>
      %eq3A_287 = vector.broadcast %reduce_min3A_267 : i32 to vector<16xi32>
      %eq3A_288 = arith.cmpi eq, %iota3A_286, %eq3A_287 : vector<16xi32>
      %and3A_289 = vector.broadcast %not3A_285 : i1 to vector<16xi1>
      %and3A_290 = arith.andi %and3A_289, %eq3A_288 : vector<16xi1>
      %jit3A_291 = arith.constant 0xFF800000 : f32
      %broadcast_in_dim3A_292 = vector.broadcast %jit3A_291 : f32 to vector<16xf32>
      %select_n3A_293 = arith.select %and3A_290, %broadcast_in_dim3A_292, %select_n3A_229 : vector<16xi1>, vector<16xf32>
      %reduce_max3A_294 = arith.constant true
      %reduce_max3A_295 = vector.broadcast %reduce_max3A_294 : i1 to vector<16xi1>
      %reduce_max3A_296 = tpu.scan <max>, %select_n3A_283 masked %reduce_max3A_295 : vector<16xf32>, vector<16xi1> -> vector<16xf32>
      %reduce_max3A_297 = vector.extract %reduce_max3A_296[15] : f32 from vector<16xf32>
      %reduce_max3A_298 = arith.constant true
      %reduce_max3A_299 = vector.broadcast %reduce_max3A_298 : i1 to vector<16xi1>
      %reduce_max3A_300 = tpu.scan <max>, %select_n3A_293 masked %reduce_max3A_299 : vector<16xf32>, vector<16xi1> -> vector<16xf32>
      %reduce_max3A_301 = vector.extract %reduce_max3A_300[15] : f32 from vector<16xf32>
      %max3A_302 = arith.maximumf %reduce_max3A_297, %reduce_max3A_301 : f32
      %ge3A_303 = arith.cmpf oge, %reduce_max3A_297, %reduce_max3A_301 : f32
      %eq3A_304 = vector.broadcast %max3A_302 : f32 to vector<16xf32>
      %eq3A_305 = arith.cmpf oeq, %select_n3A_283, %eq3A_304 : vector<16xf32>
      %iota3A_306 = tpu.iota {dimensions = array<i32: 0>} : vector<16xi32>
      %jit3A_307 = arith.constant 99 : i32
      %broadcast_in_dim3A_308 = vector.broadcast %jit3A_307 : i32 to vector<16xi32>
      %select_n3A_309 = arith.select %eq3A_305, %iota3A_306, %broadcast_in_dim3A_308 : vector<16xi1>, vector<16xi32>
      %reduce_min3A_310 = arith.constant true
      %reduce_min3A_311 = vector.broadcast %reduce_min3A_310 : i1 to vector<16xi1>
      %reduce_min3A_312 = arith.constant -2147483648 : i32
      %reduce_min3A_313 = vector.broadcast %reduce_min3A_312 : i32 to vector<16xi32>
      %reduce_min3A_314 = arith.xori %select_n3A_309, %reduce_min3A_313 : vector<16xi32>
      %reduce_min3A_315 = tpu.scan <min>, %reduce_min3A_314 masked %reduce_min3A_311 : vector<16xi32>, vector<16xi1> -> vector<16xi32>
      %reduce_min3A_316 = arith.xori %reduce_min3A_315, %reduce_min3A_313 : vector<16xi32>
      %reduce_min3A_317 = vector.extract %reduce_min3A_316[15] : i32 from vector<16xi32>
      %eq3A_318 = vector.broadcast %max3A_302 : f32 to vector<16xf32>
      %eq3A_319 = arith.cmpf oeq, %select_n3A_293, %eq3A_318 : vector<16xf32>
      %iota3A_320 = tpu.iota {dimensions = array<i32: 0>} : vector<16xi32>
      %jit3A_321 = arith.constant 99 : i32
      %broadcast_in_dim3A_322 = vector.broadcast %jit3A_321 : i32 to vector<16xi32>
      %select_n3A_323 = arith.select %eq3A_319, %iota3A_320, %broadcast_in_dim3A_322 : vector<16xi1>, vector<16xi32>
      %reduce_min3A_324 = arith.constant true
      %reduce_min3A_325 = vector.broadcast %reduce_min3A_324 : i1 to vector<16xi1>
      %reduce_min3A_326 = arith.constant -2147483648 : i32
      %reduce_min3A_327 = vector.broadcast %reduce_min3A_326 : i32 to vector<16xi32>
      %reduce_min3A_328 = arith.xori %select_n3A_323, %reduce_min3A_327 : vector<16xi32>
      %reduce_min3A_329 = tpu.scan <min>, %reduce_min3A_328 masked %reduce_min3A_325 : vector<16xi32>, vector<16xi1> -> vector<16xi32>
      %reduce_min3A_330 = arith.xori %reduce_min3A_329, %reduce_min3A_327 : vector<16xi32>
      %reduce_min3A_331 = vector.extract %reduce_min3A_330[15] : i32 from vector<16xi32>
      %add3A_332 = arith.constant 16 : i32
      %add3A_333 = arith.addi %add3A_332, %reduce_min3A_331 : i32
      %select_n3A_334 = arith.select %ge3A_303, %reduce_min3A_317, %add3A_333 : i32
      %broadcast_in_dim3A_335 = vector.broadcast %select_n3A_334 : i32 to vector<16xi32>
      %gather3A_336 = tpu.vector_load_idx %arg13[%broadcast_in_dim3A_335] : memref<32xf32, #tpu.memory_space<vmem>>[vector<16xi32>], vector<16xf32>,
      %slice3A_337 = vector.extract_strided_slice %gather3A_336 {offsets = [0], sizes = [1], strides = [1]} : vector<16xf32> to vector<1xf32>
      %squeeze3A_338 = vector.extract %slice3A_337[0] : f32 from vector<1xf32>
      %add3A_339 = arith.addf %add3A_275, %squeeze3A_338 : f32
      %iota3A_340 = tpu.iota {dimensions = array<i32: 0>} : vector<16xi32>
      %eq3A_341 = vector.broadcast %reduce_min3A_317 : i32 to vector<16xi32>
      %eq3A_342 = arith.cmpi eq, %iota3A_340, %eq3A_341 : vector<16xi32>
      %and3A_343 = vector.broadcast %ge3A_303 : i1 to vector<16xi1>
      %and3A_344 = arith.andi %and3A_343, %eq3A_342 : vector<16xi1>
      %jit3A_345 = arith.constant 0xFF800000 : f32
      %broadcast_in_dim3A_346 = vector.broadcast %jit3A_345 : f32 to vector<16xf32>
      %select_n3A_347 = arith.select %and3A_344, %broadcast_in_dim3A_346, %select_n3A_283 : vector<16xi1>, vector<16xf32>
      %not3A_348 = arith.constant true
      %not3A_349 = arith.xori %ge3A_303, %not3A_348 : i1
      %iota3A_350 = tpu.iota {dimensions = array<i32: 0>} : vector<16xi32>
      %eq3A_351 = vector.broadcast %reduce_min3A_331 : i32 to vector<16xi32>
      %eq3A_352 = arith.cmpi eq, %iota3A_350, %eq3A_351 : vector<16xi32>
      %and3A_353 = vector.broadcast %not3A_349 : i1 to vector<16xi1>
      %and3A_354 = arith.andi %and3A_353, %eq3A_352 : vector<16xi1>
      %jit3A_355 = arith.constant 0xFF800000 : f32
      %broadcast_in_dim3A_356 = vector.broadcast %jit3A_355 : f32 to vector<16xf32>
      %select_n3A_357 = arith.select %and3A_354, %broadcast_in_dim3A_356, %select_n3A_293 : vector<16xi1>, vector<16xf32>
      %broadcast_in_dim3A_358 = vector.broadcast %select_n3A_145 : i32 to vector<16xi32>
      %gather3A_359 = tpu.vector_load_idx %arg14[%broadcast_in_dim3A_358] : memref<32xi32, #tpu.memory_space<vmem>>[vector<16xi32>], vector<16xi32>,
      %slice3A_360 = vector.extract_strided_slice %gather3A_359 {offsets = [0], sizes = [1], strides = [1]} : vector<16xi32> to vector<1xi32>
      %squeeze3A_361 = vector.extract %slice3A_360[0] : i32 from vector<1xi32>
      %jit3A_362 = arith.constant 128 : i32
      %div3A = arith.divsi %squeeze3A_361, %jit3A_362 : i32
      %sign3A = arith.constant 0 : i32
      %sign3A_363 = arith.cmpi sgt, %squeeze3A_361, %sign3A : i32
      %sign3A_364 = arith.extui %sign3A_363 : i1 to i32
      %sign3A_365 = arith.constant 0 : i32
      %sign3A_366 = arith.cmpi slt, %squeeze3A_361, %sign3A_365 : i32
      %sign3A_367 = arith.extui %sign3A_366 : i1 to i32
      %sign3A_368 = arith.subi %sign3A_364, %sign3A_367 : i32
      %sign3A_369 = arith.constant 0 : i32
      %sign3A_370 = arith.cmpi sgt, %jit3A_362, %sign3A_369 : i32
      %sign3A_371 = arith.extui %sign3A_370 : i1 to i32
      %sign3A_372 = arith.constant 0 : i32
      %sign3A_373 = arith.cmpi slt, %jit3A_362, %sign3A_372 : i32
      %sign3A_374 = arith.extui %sign3A_373 : i1 to i32
      %sign3A_375 = arith.subi %sign3A_371, %sign3A_374 : i32
      %ne3A = arith.cmpi ne, %sign3A_368, %sign3A_375 : i32
      %rem3A = arith.remsi %squeeze3A_361, %jit3A_362 : i32
      %ne3A_376 = arith.constant 0 : i32
      %ne3A_377 = arith.cmpi ne, %rem3A, %ne3A_376 : i32
      %and3A_378 = arith.andi %ne3A, %ne3A_377 : i1
      %sub3A = arith.constant 1 : i32
      %sub3A_379 = arith.subi %div3A, %sub3A : i32
      %select_n3A_380 = arith.select %and3A_378, %sub3A_379, %div3A : i32
      %broadcast_in_dim3A_381 = vector.broadcast %scan3A_24 : i32 to vector<16xi32>
      %broadcast_in_dim3A_382 = vector.broadcast %select_n3A_380 : i32 to vector<16xi32>
      %iota3A_383 = tpu.iota {dimensions = array<i32: 0>} : vector<16xi32>
      %eq3A_384 = arith.constant 0 : i32
      %eq3A_385 = vector.broadcast %eq3A_384 : i32 to vector<16xi32>
      %eq3A_386 = arith.cmpi eq, %iota3A_383, %eq3A_385 : vector<16xi32>
      tpu.vector_store_idx %arg23[%broadcast_in_dim3A_381], %broadcast_in_dim3A_382 masked %eq3A_386 : memref<8xi32, #tpu.memory_space<vmem>>[vector<16xi32>], vector<16xi32>, vector<16xi1>
      %jit3A_387 = arith.constant 128 : i32
      %eq3A_388 = arith.constant 0 : i32
      %eq3A_389 = arith.cmpi eq, %jit3A_387, %eq3A_388 : i32
      %jit3A_390 = arith.constant 1 : i32
      %select_n3A_391 = arith.select %eq3A_389, %jit3A_390, %jit3A_387 : i32
      %rem3A_392 = arith.remsi %squeeze3A_361, %select_n3A_391 : i32
      %ne3A_393 = arith.constant 0 : i32
      %ne3A_394 = arith.cmpi ne, %rem3A_392, %ne3A_393 : i32
      %lt3A = arith.constant 0 : i32
      %lt3A_395 = arith.cmpi slt, %rem3A_392, %lt3A : i32
      %lt3A_396 = arith.constant 0 : i32
      %lt3A_397 = arith.cmpi slt, %select_n3A_391, %lt3A_396 : i32
      %ne3A_398 = arith.xori %lt3A_395, %lt3A_397 : i1
      %and3A_399 = arith.andi %ne3A_398, %ne3A_394 : i1
      %add3A_400 = arith.addi %rem3A_392, %select_n3A_391 : i32
      %select_n3A_401 = arith.select %and3A_399, %add3A_400, %rem3A_392 : i32
      %broadcast_in_dim3A_402 = vector.broadcast %scan3A_24 : i32 to vector<16xi32>
      %broadcast_in_dim3A_403 = vector.broadcast %select_n3A_401 : i32 to vector<16xi32>
      %iota3A_404 = tpu.iota {dimensions = array<i32: 0>} : vector<16xi32>
      %eq3A_405 = arith.constant 0 : i32
      %eq3A_406 = vector.broadcast %eq3A_405 : i32 to vector<16xi32>
      %eq3A_407 = arith.cmpi eq, %iota3A_404, %eq3A_406 : vector<16xi32>
      tpu.vector_store_idx %arg24[%broadcast_in_dim3A_402], %broadcast_in_dim3A_403 masked %eq3A_407 : memref<8xi32, #tpu.memory_space<vmem>>[vector<16xi32>], vector<16xi32>, vector<16xi1>
      %mul3A_408 = arith.constant 142.857147 : f32
      %mul3A_409 = arith.mulf %add3A_339, %mul3A_408 : f32
      %add3A_410 = arith.addf %scan3A_25, %mul3A_409 : f32
      %get3A_411 = arith.index_cast %scan3A_24 : i32 to index
      %get3A_412 = arith.constant 0 : index
      %get3A_413 = tpu.vector_load %arg21[%get3A_411, %get3A_412] {strides = array<i32>} : memref<8x128xf32, #tpu.memory_space<vmem>>, vector<16xf32>,
      %slice3A_414 = vector.extract_strided_slice %get3A_413 {offsets = [0], sizes = [1], strides = [1]} : vector<16xf32> to vector<1xf32>
      %squeeze3A_415 = vector.extract %slice3A_414[0] : f32 from vector<1xf32>
      %mul3A_416 = arith.constant 4.000000e+00 : f32
      %mul3A_417 = arith.mulf %mul3A_416, %squeeze3A_415 : f32
      %sub3A_418 = arith.subf %add3A_410, %mul3A_417 : f32
      scf.yield %sub3A_418 : f32
    }
    %scan3A_8 = arith.constant 8 : i32
    %dma_start3A = arith.constant 0 : i32
    %dma_start3A_9 = arith.constant 0 : i32
    %dma_start3A_10 = tpu.memref_slice %arg5[%dma_start3A, %dma_start3A_9] : memref<375x128xi32, #tpu.memory_space<hbm>> -> memref<375x128xi32, #tpu.memory_space<hbm>>
    tpu.enqueue_indirect_dma source(%dma_start3A_10 : memref<375x128xi32, #tpu.memory_space<hbm>>) target(%arg25 : memref<8x128xi32, #tpu.memory_space<vmem>>) offsets(%arg23 : memref<8xi32, #tpu.memory_space<vmem>>) semaphore(%arg28 : memref<!tpu.dma_semaphore, #tpu.memory_space<semaphore_mem>>)
    %dma_wait3A = arith.constant 0 : i32
    %dma_wait3A_11 = arith.constant 0 : i32
    %dma_wait3A_12 = tpu.memref_slice %arg5[%dma_wait3A, %dma_wait3A_11] : memref<375x128xi32, #tpu.memory_space<hbm>> -> memref<375x128xi32, #tpu.memory_space<hbm>>
    tpu.wait_indirect_dma semaphore(%arg28 : memref<!tpu.dma_semaphore, #tpu.memory_space<semaphore_mem>>) src(%dma_wait3A_12 : memref<375x128xi32, #tpu.memory_space<hbm>>) dst(%arg25 : memref<8x128xi32, #tpu.memory_space<vmem>>)
    %scan3A_13 = arith.constant 0 : i32
    %scan3A_14 = arith.constant 0 : i32
    %scan3A_15 = arith.constant 8 : i32
    %scan3A_16 = arith.addi %scan3A_14, %scan3A_15 : i32
    %scan3A_17 = arith.constant 1 : i32
    %scan3A_18 = scf.for %scan3A_24 = %scan3A_14 to %scan3A_16 step %scan3A_17 iter_args(%scan3A_25 = %scan3A_13) -> (i32)  : i32 {
      %broadcast_in_dim3A_26 = vector.broadcast %scan3A_24 : i32 to vector<16xi32>
      %gather3A = tpu.vector_load_idx %arg24[%broadcast_in_dim3A_26] : memref<8xi32, #tpu.memory_space<vmem>>[vector<16xi32>], vector<16xi32>,
      %broadcast_in_dim3A_27 = vector.broadcast %scan3A_24 : i32 to vector<16xi32>
      %gather3A_28 = tpu.vector_load_idx %arg25[%broadcast_in_dim3A_27, %gather3A] : memref<8x128xi32, #tpu.memory_space<vmem>>[vector<16xi32>, vector<16xi32>], vector<16xi32>,
      %slice3A = vector.extract_strided_slice %gather3A_28 {offsets = [0], sizes = [1], strides = [1]} : vector<16xi32> to vector<1xi32>
      %squeeze3A = vector.extract %slice3A[0] : i32 from vector<1xi32>
      %broadcast_in_dim3A_29 = vector.broadcast %scan3A_24 : i32 to vector<16xi32>
      %gather3A_30 = tpu.vector_load_idx %arg22[%broadcast_in_dim3A_29] : memref<16xi32, #tpu.memory_space<vmem>>[vector<16xi32>], vector<16xi32>,
      %slice3A_31 = vector.extract_strided_slice %gather3A_30 {offsets = [0], sizes = [1], strides = [1]} : vector<16xi32> to vector<1xi32>
      %squeeze3A_32 = vector.extract %slice3A_31[0] : i32 from vector<1xi32>
      %eq3A = arith.cmpi eq, %squeeze3A, %squeeze3A_32 : i32
      %jit3A = arith.constant 1 : i32
      %jit3A_33 = arith.constant 0 : i32
      %select_n3A = arith.select %eq3A, %jit3A, %jit3A_33 : i32
      %add3A_34 = arith.addi %scan3A_25, %select_n3A : i32
      scf.yield %add3A_34 : i32
    }
    %scan3A_19 = arith.constant 8 : i32
    %broadcast_in_dim3A = vector.broadcast %scan3A_7 : f32 to vector<16xf32>
    %swap3A = arith.constant 0 : index
    %swap3A_20 = tpu.vector_load %arg26[%swap3A] {strides = array<i32>} : memref<16xf32, #tpu.memory_space<vmem>>, vector<16xf32>,
    tpu.vector_store %arg26[%swap3A], %broadcast_in_dim3A {strides = array<i32>} : memref<16xf32, #tpu.memory_space<vmem>>, vector<16xf32>,
    %broadcast_in_dim3A_21 = vector.broadcast %scan3A_18 : i32 to vector<16xi32>
    %swap3A_22 = arith.constant 0 : index
    %swap3A_23 = tpu.vector_load %arg27[%swap3A_22] {strides = array<i32>} : memref<16xi32, #tpu.memory_space<vmem>>, vector<16xi32>,
    tpu.vector_store %arg27[%swap3A_22], %broadcast_in_dim3A_21 {strides = array<i32>} : memref<16xi32, #tpu.memory_space<vmem>>, vector<16xi32>,
    "tpu.region"() ({
      %run_scoped3A = tpu.sem_alloc : memref<!tpu.dma_semaphore, #tpu.memory_space<semaphore_mem>>
      %dma_start3A_24 = arith.constant 0 : i32
      %dma_start3A_25 = tpu.memref_slice %arg7[%add3A, %dma_start3A_24] : memref<32x16xf32, #tpu.memory_space<hbm>> -> memref<1x16xf32, #tpu.memory_space<hbm>>
      %dma_start3A_26 = tpu.memref_squeeze %dma_start3A_25 : memref<1x16xf32, #tpu.memory_space<hbm>> -> memref<16xf32, #tpu.memory_space<hbm>>
      %dma_start3A_27 = arith.constant 0 : i32
      %dma_start3A_28 = tpu.memref_slice %arg7[%add3A, %dma_start3A_27] : memref<32x16xf32, #tpu.memory_space<hbm>> -> memref<1x16xf32, #tpu.memory_space<hbm>>
      %dma_start3A_29 = tpu.memref_squeeze %dma_start3A_28 : memref<1x16xf32, #tpu.memory_space<hbm>> -> memref<16xf32, #tpu.memory_space<hbm>>
      tpu.enqueue_dma source(%arg26 : memref<16xf32, #tpu.memory_space<vmem>>) target(%dma_start3A_29 : memref<16xf32, #tpu.memory_space<hbm>>) target_semaphore(%run_scoped3A : memref<!tpu.dma_semaphore, #tpu.memory_space<semaphore_mem>>)
      %dma_wait3A_30 = arith.constant 0 : i32
      %dma_wait3A_31 = tpu.memref_slice %arg7[%add3A, %dma_wait3A_30] : memref<32x16xf32, #tpu.memory_space<hbm>> -> memref<1x16xf32, #tpu.memory_space<hbm>>
      %dma_wait3A_32 = tpu.memref_squeeze %dma_wait3A_31 : memref<1x16xf32, #tpu.memory_space<hbm>> -> memref<16xf32, #tpu.memory_space<hbm>>
      %dma_wait3A_33 = arith.constant 0 : i32
      %dma_wait3A_34 = tpu.memref_slice %arg7[%add3A, %dma_wait3A_33] : memref<32x16xf32, #tpu.memory_space<hbm>> -> memref<1x16xf32, #tpu.memory_space<hbm>>
      %dma_wait3A_35 = tpu.memref_squeeze %dma_wait3A_34 : memref<1x16xf32, #tpu.memory_space<hbm>> -> memref<16xf32, #tpu.memory_space<hbm>>
      tpu.wait_dma2 semaphore(%run_scoped3A : memref<!tpu.dma_semaphore, #tpu.memory_space<semaphore_mem>>) src(%arg26 : memref<16xf32, #tpu.memory_space<vmem>>) dst(%dma_wait3A_35 : memref<16xf32, #tpu.memory_space<hbm>>)
      tpu.yield
    }) : () -> ()
    "tpu.region"() ({
      %run_scoped3A = tpu.sem_alloc : memref<!tpu.dma_semaphore, #tpu.memory_space<semaphore_mem>>
      %dma_start3A_24 = arith.constant 0 : i32
      %dma_start3A_25 = tpu.memref_slice %arg8[%add3A, %dma_start3A_24] : memref<32x16xi32, #tpu.memory_space<hbm>> -> memref<1x16xi32, #tpu.memory_space<hbm>>
      %dma_start3A_26 = tpu.memref_squeeze %dma_start3A_25 : memref<1x16xi32, #tpu.memory_space<hbm>> -> memref<16xi32, #tpu.memory_space<hbm>>
      %dma_start3A_27 = arith.constant 0 : i32
      %dma_start3A_28 = tpu.memref_slice %arg8[%add3A, %dma_start3A_27] : memref<32x16xi32, #tpu.memory_space<hbm>> -> memref<1x16xi32, #tpu.memory_space<hbm>>
      %dma_start3A_29 = tpu.memref_squeeze %dma_start3A_28 : memref<1x16xi32, #tpu.memory_space<hbm>> -> memref<16xi32, #tpu.memory_space<hbm>>
      tpu.enqueue_dma source(%arg27 : memref<16xi32, #tpu.memory_space<vmem>>) target(%dma_start3A_29 : memref<16xi32, #tpu.memory_space<hbm>>) target_semaphore(%run_scoped3A : memref<!tpu.dma_semaphore, #tpu.memory_space<semaphore_mem>>)
      %dma_wait3A_30 = arith.constant 0 : i32
      %dma_wait3A_31 = tpu.memref_slice %arg8[%add3A, %dma_wait3A_30] : memref<32x16xi32, #tpu.memory_space<hbm>> -> memref<1x16xi32, #tpu.memory_space<hbm>>
      %dma_wait3A_32 = tpu.memref_squeeze %dma_wait3A_31 : memref<1x16xi32, #tpu.memory_space<hbm>> -> memref<16xi32, #tpu.memory_space<hbm>>
      %dma_wait3A_33 = arith.constant 0 : i32
      %dma_wait3A_34 = tpu.memref_slice %arg8[%add3A, %dma_wait3A_33] : memref<32x16xi32, #tpu.memory_space<hbm>> -> memref<1x16xi32, #tpu.memory_space<hbm>>
      %dma_wait3A_35 = tpu.memref_squeeze %dma_wait3A_34 : memref<1x16xi32, #tpu.memory_space<hbm>> -> memref<16xi32, #tpu.memory_space<hbm>>
      tpu.wait_dma2 semaphore(%run_scoped3A : memref<!tpu.dma_semaphore, #tpu.memory_space<semaphore_mem>>) src(%arg27 : memref<16xi32, #tpu.memory_space<vmem>>) dst(%dma_wait3A_35 : memref<16xi32, #tpu.memory_space<hbm>>)
      tpu.yield
    }) : () -> ()
    return
  }
}

module attributes {stable_mosaic.version = 14 : i64} {
  func.func @_sim_body(%arg0: i32, %arg1: memref<512x512xf32, #tpu.memory_space<vmem>>, %arg2: memref<3200x512xf32, #tpu.memory_space<vmem>>, %arg3: memref<3200x512xf32, #tpu.memory_space<vmem>>, %arg4: memref<12800x128xf32, #tpu.memory_space<vmem>>, %arg5: memref<256x128xf32, #tpu.memory_space<vmem>>, %arg6: memref<256x128xf32, #tpu.memory_space<vmem>>, %arg7: memref<512x512xf32, #tpu.memory_space<vmem>>, %arg8: memref<256x128xf32, #tpu.memory_space<vmem>>, %arg9: memref<256x128xf32, #tpu.memory_space<vmem>>) attributes {dimension_semantics = [#tpu.dimension_semantics<arbitrary>], iteration_bounds = array<i64: 15>, scalar_prefetch = 0 : i64, scratch_operands = 3 : i64, tpu.core_type = #tpu.core_type<tc>, window_params = [{pipeline_mode = #tpu.pipeline_mode<synchronous>, transform_indices = @transform_0, window_bounds = array<i64: 512, 512>}, {transform_indices = @transform_1, window_bounds = array<i64: 3200, 512>}, {pipeline_mode = #tpu.pipeline_mode<synchronous>, transform_indices = @transform_2, window_bounds = array<i64: 3200, 512>}, {transform_indices = @transform_3, window_bounds = array<i64: 12800, 128>}, {pipeline_mode = #tpu.pipeline_mode<synchronous>, transform_indices = @transform_4, window_bounds = array<i64: 256, 128>}, {transform_indices = @transform_5, window_bounds = array<i64: 256, 128>}]} {
    %eq3A = arith.constant 0 : i32
    %eq3A_0 = arith.cmpi eq, %arg0, %eq3A : i32
    %convert_element_type3A = arith.extui %eq3A_0 : i1 to i32
    %cond3A = arith.constant 0 : i32
    %cond3A_1 = arith.cmpi ne, %convert_element_type3A, %cond3A : i32
    scf.if %cond3A_1 {
      %get3A_162 = arith.constant 0 : index
      %get3A_163 = arith.constant 0 : index
      %get3A_164 = vector.load %arg1[%get3A_162, %get3A_163] : memref<512x512xf32, #tpu.memory_space<vmem>>, vector<512x512xf32>
      %mul3A_165 = arith.mulf %get3A_164, %get3A_164 : vector<512x512xf32>
      %reduce_sum3A_166 = arith.constant dense<0.000000e+00> : vector<512xf32>
      %reduce_sum3A_167 = vector.multi_reduction <add>, %mul3A_165, %reduce_sum3A_166 [1] : vector<512x512xf32> to vector<512xf32>
      %broadcast_in_dim3A_168 = vector.shape_cast %reduce_sum3A_167 : vector<512xf32> to vector<512x1xf32>
      %sqrt3A_169 = math.sqrt %broadcast_in_dim3A_168 : vector<512x1xf32>
      %add3A_170 = arith.constant 9.99999996E-13 : f32
      %add3A_171 = vector.broadcast %add3A_170 : f32 to vector<512x1xf32>
      %add3A_172 = arith.addf %sqrt3A_169, %add3A_171 : vector<512x1xf32>
      %div3A_173 = vector.broadcast %add3A_172 : vector<512x1xf32> to vector<512x512xf32>
      %div3A_174 = arith.divf %get3A_164, %div3A_173 : vector<512x512xf32>
      %swap3A_175 = arith.constant 0 : index
      %swap3A_176 = arith.constant 0 : index
      %swap3A_177 = vector.load %arg7[%swap3A_175, %swap3A_176] : memref<512x512xf32, #tpu.memory_space<vmem>>, vector<512x512xf32>
      tpu.vector_store %arg7[%swap3A_175, %swap3A_176], %div3A_174 {strides = array<i32>} : memref<512x512xf32, #tpu.memory_space<vmem>>, vector<512x512xf32>,
      %broadcast_in_dim3A_178 = arith.constant 0xFF800000 : f32
      %broadcast_in_dim3A_179 = vector.broadcast %broadcast_in_dim3A_178 : f32 to vector<256x128xf32>
      %swap3A_180 = arith.constant 0 : index
      %swap3A_181 = arith.constant 0 : index
      %swap3A_182 = vector.load %arg8[%swap3A_180, %swap3A_181] : memref<256x128xf32, #tpu.memory_space<vmem>>, vector<256x128xf32>
      tpu.vector_store %arg8[%swap3A_180, %swap3A_181], %broadcast_in_dim3A_179 {strides = array<i32>} : memref<256x128xf32, #tpu.memory_space<vmem>>, vector<256x128xf32>,
      %broadcast_in_dim3A_183 = arith.constant 0.000000e+00 : f32
      %broadcast_in_dim3A_184 = vector.broadcast %broadcast_in_dim3A_183 : f32 to vector<256x128xf32>
      %swap3A_185 = arith.constant 0 : index
      %swap3A_186 = arith.constant 0 : index
      %swap3A_187 = vector.load %arg9[%swap3A_185, %swap3A_186] : memref<256x128xf32, #tpu.memory_space<vmem>>, vector<256x128xf32>
      tpu.vector_store %arg9[%swap3A_185, %swap3A_186], %broadcast_in_dim3A_184 {strides = array<i32>} : memref<256x128xf32, #tpu.memory_space<vmem>>, vector<256x128xf32>,
    } else {
    }
    %iota3A = tpu.iota {dimensions = array<i32: 0>} : vector<3200x1xi32>
    %mul3A = arith.constant 3200 : i32
    %mul3A_2 = arith.muli %arg0, %mul3A : i32
    %add3A = vector.broadcast %mul3A_2 : i32 to vector<3200x1xi32>
    %add3A_3 = arith.addi %iota3A, %add3A : vector<3200x1xi32>
    %lt3A = arith.constant 64 : i32
    %lt3A_4 = vector.broadcast %lt3A : i32 to vector<3200x1xi32>
    %lt3A_5 = arith.cmpi slt, %add3A_3, %lt3A_4 : vector<3200x1xi32>
    %get3A = arith.constant 0 : index
    %get3A_6 = arith.constant 0 : index
    %get3A_7 = vector.load %arg3[%get3A, %get3A_6] : memref<3200x512xf32, #tpu.memory_space<vmem>>, vector<3200x512xf32>
    %get3A_8 = arith.constant 0 : index
    %get3A_9 = arith.constant 0 : index
    %get3A_10 = vector.load %arg2[%get3A_8, %get3A_9] : memref<3200x512xf32, #tpu.memory_space<vmem>>, vector<3200x512xf32>
    %broadcast_in_dim3A = vector.shape_cast %lt3A_5 : vector<3200x1xi1> to vector<3200x1xi1>
    %broadcast_in_dim3A_11 = vector.broadcast %broadcast_in_dim3A : vector<3200x1xi1> to vector<3200x512xi1>
    %select_n3A = arith.select %broadcast_in_dim3A_11, %get3A_7, %get3A_10 : vector<3200x512xi1>, vector<3200x512xf32>
    %mul3A_12 = arith.mulf %select_n3A, %select_n3A : vector<3200x512xf32>
    %reduce_sum3A = arith.constant dense<0.000000e+00> : vector<3200xf32>
    %reduce_sum3A_13 = vector.multi_reduction <add>, %mul3A_12, %reduce_sum3A [1] : vector<3200x512xf32> to vector<3200xf32>
    %broadcast_in_dim3A_14 = vector.shape_cast %reduce_sum3A_13 : vector<3200xf32> to vector<3200x1xf32>
    %sqrt3A = math.sqrt %broadcast_in_dim3A_14 : vector<3200x1xf32>
    %add3A_15 = arith.constant 9.99999996E-13 : f32
    %add3A_16 = vector.broadcast %add3A_15 : f32 to vector<3200x1xf32>
    %add3A_17 = arith.addf %sqrt3A, %add3A_16 : vector<3200x1xf32>
    %div3A = vector.broadcast %add3A_17 : vector<3200x1xf32> to vector<3200x512xf32>
    %div3A_18 = arith.divf %select_n3A, %div3A : vector<3200x512xf32>
    %get3A_19 = arith.constant 0 : index
    %get3A_20 = arith.constant 0 : index
    %get3A_21 = vector.load %arg7[%get3A_19, %get3A_20] : memref<512x512xf32, #tpu.memory_space<vmem>>, vector<512x512xf32>
    %dot_general3A = arith.constant dense<0.000000e+00> : vector<512x3200xf32>
    %dot_general3A_22 = tpu.matmul %get3A_21, %div3A_18, %dot_general3A {dimension_numbers = #tpu.dot_dimension_numbers<[1], [1], [0], [0], [0, 0, 1, 0], [], []>, transpose_lhs_hint = false} : vector<512x512xf32>, vector<3200x512xf32>, vector<512x3200xf32> -> vector<512x3200xf32>
    %slice3A = vector.extract_strided_slice %dot_general3A_22 {offsets = [0, 0], sizes = [512, 128], strides = [1, 1]} : vector<512x3200xf32> to vector<512x128xf32>
    %swap3A = arith.constant 0 : index
    %swap3A_23 = arith.constant 0 : index
    %swap3A_24 = vector.load %arg4[%swap3A, %swap3A_23] : memref<12800x128xf32, #tpu.memory_space<vmem>>, vector<512x128xf32>
    tpu.vector_store %arg4[%swap3A, %swap3A_23], %slice3A {strides = array<i32>} : memref<12800x128xf32, #tpu.memory_space<vmem>>, vector<512x128xf32>,
    %slice3A_25 = vector.extract_strided_slice %dot_general3A_22 {offsets = [0, 128], sizes = [512, 128], strides = [1, 1]} : vector<512x3200xf32> to vector<512x128xf32>
    %swap3A_26 = arith.constant 512 : index
    %swap3A_27 = arith.constant 0 : index
    %swap3A_28 = vector.load %arg4[%swap3A_26, %swap3A_27] : memref<12800x128xf32, #tpu.memory_space<vmem>>, vector<512x128xf32>
    tpu.vector_store %arg4[%swap3A_26, %swap3A_27], %slice3A_25 {strides = array<i32>} : memref<12800x128xf32, #tpu.memory_space<vmem>>, vector<512x128xf32>,
    %slice3A_29 = vector.extract_strided_slice %dot_general3A_22 {offsets = [0, 256], sizes = [512, 128], strides = [1, 1]} : vector<512x3200xf32> to vector<512x128xf32>
    %swap3A_30 = arith.constant 1024 : index
    %swap3A_31 = arith.constant 0 : index
    %swap3A_32 = vector.load %arg4[%swap3A_30, %swap3A_31] : memref<12800x128xf32, #tpu.memory_space<vmem>>, vector<512x128xf32>
    tpu.vector_store %arg4[%swap3A_30, %swap3A_31], %slice3A_29 {strides = array<i32>} : memref<12800x128xf32, #tpu.memory_space<vmem>>, vector<512x128xf32>,
    %slice3A_33 = vector.extract_strided_slice %dot_general3A_22 {offsets = [0, 384], sizes = [512, 128], strides = [1, 1]} : vector<512x3200xf32> to vector<512x128xf32>
    %swap3A_34 = arith.constant 1536 : index
    %swap3A_35 = arith.constant 0 : index
    %swap3A_36 = vector.load %arg4[%swap3A_34, %swap3A_35] : memref<12800x128xf32, #tpu.memory_space<vmem>>, vector<512x128xf32>
    tpu.vector_store %arg4[%swap3A_34, %swap3A_35], %slice3A_33 {strides = array<i32>} : memref<12800x128xf32, #tpu.memory_space<vmem>>, vector<512x128xf32>,
    %slice3A_37 = vector.extract_strided_slice %dot_general3A_22 {offsets = [0, 512], sizes = [512, 128], strides = [1, 1]} : vector<512x3200xf32> to vector<512x128xf32>
    %swap3A_38 = arith.constant 2048 : index
    %swap3A_39 = arith.constant 0 : index
    %swap3A_40 = vector.load %arg4[%swap3A_38, %swap3A_39] : memref<12800x128xf32, #tpu.memory_space<vmem>>, vector<512x128xf32>
    tpu.vector_store %arg4[%swap3A_38, %swap3A_39], %slice3A_37 {strides = array<i32>} : memref<12800x128xf32, #tpu.memory_space<vmem>>, vector<512x128xf32>,
    %slice3A_41 = vector.extract_strided_slice %dot_general3A_22 {offsets = [0, 640], sizes = [512, 128], strides = [1, 1]} : vector<512x3200xf32> to vector<512x128xf32>
    %swap3A_42 = arith.constant 2560 : index
    %swap3A_43 = arith.constant 0 : index
    %swap3A_44 = vector.load %arg4[%swap3A_42, %swap3A_43] : memref<12800x128xf32, #tpu.memory_space<vmem>>, vector<512x128xf32>
    tpu.vector_store %arg4[%swap3A_42, %swap3A_43], %slice3A_41 {strides = array<i32>} : memref<12800x128xf32, #tpu.memory_space<vmem>>, vector<512x128xf32>,
    %slice3A_45 = vector.extract_strided_slice %dot_general3A_22 {offsets = [0, 768], sizes = [512, 128], strides = [1, 1]} : vector<512x3200xf32> to vector<512x128xf32>
    %swap3A_46 = arith.constant 3072 : index
    %swap3A_47 = arith.constant 0 : index
    %swap3A_48 = vector.load %arg4[%swap3A_46, %swap3A_47] : memref<12800x128xf32, #tpu.memory_space<vmem>>, vector<512x128xf32>
    tpu.vector_store %arg4[%swap3A_46, %swap3A_47], %slice3A_45 {strides = array<i32>} : memref<12800x128xf32, #tpu.memory_space<vmem>>, vector<512x128xf32>,
    %slice3A_49 = vector.extract_strided_slice %dot_general3A_22 {offsets = [0, 896], sizes = [512, 128], strides = [1, 1]} : vector<512x3200xf32> to vector<512x128xf32>
    %swap3A_50 = arith.constant 3584 : index
    %swap3A_51 = arith.constant 0 : index
    %swap3A_52 = vector.load %arg4[%swap3A_50, %swap3A_51] : memref<12800x128xf32, #tpu.memory_space<vmem>>, vector<512x128xf32>
    tpu.vector_store %arg4[%swap3A_50, %swap3A_51], %slice3A_49 {strides = array<i32>} : memref<12800x128xf32, #tpu.memory_space<vmem>>, vector<512x128xf32>,
    %slice3A_53 = vector.extract_strided_slice %dot_general3A_22 {offsets = [0, 1024], sizes = [512, 128], strides = [1, 1]} : vector<512x3200xf32> to vector<512x128xf32>
    %swap3A_54 = arith.constant 4096 : index
    %swap3A_55 = arith.constant 0 : index
    %swap3A_56 = vector.load %arg4[%swap3A_54, %swap3A_55] : memref<12800x128xf32, #tpu.memory_space<vmem>>, vector<512x128xf32>
    tpu.vector_store %arg4[%swap3A_54, %swap3A_55], %slice3A_53 {strides = array<i32>} : memref<12800x128xf32, #tpu.memory_space<vmem>>, vector<512x128xf32>,
    %slice3A_57 = vector.extract_strided_slice %dot_general3A_22 {offsets = [0, 1152], sizes = [512, 128], strides = [1, 1]} : vector<512x3200xf32> to vector<512x128xf32>
    %swap3A_58 = arith.constant 4608 : index
    %swap3A_59 = arith.constant 0 : index
    %swap3A_60 = vector.load %arg4[%swap3A_58, %swap3A_59] : memref<12800x128xf32, #tpu.memory_space<vmem>>, vector<512x128xf32>
    tpu.vector_store %arg4[%swap3A_58, %swap3A_59], %slice3A_57 {strides = array<i32>} : memref<12800x128xf32, #tpu.memory_space<vmem>>, vector<512x128xf32>,
    %slice3A_61 = vector.extract_strided_slice %dot_general3A_22 {offsets = [0, 1280], sizes = [512, 128], strides = [1, 1]} : vector<512x3200xf32> to vector<512x128xf32>
    %swap3A_62 = arith.constant 5120 : index
    %swap3A_63 = arith.constant 0 : index
    %swap3A_64 = vector.load %arg4[%swap3A_62, %swap3A_63] : memref<12800x128xf32, #tpu.memory_space<vmem>>, vector<512x128xf32>
    tpu.vector_store %arg4[%swap3A_62, %swap3A_63], %slice3A_61 {strides = array<i32>} : memref<12800x128xf32, #tpu.memory_space<vmem>>, vector<512x128xf32>,
    %slice3A_65 = vector.extract_strided_slice %dot_general3A_22 {offsets = [0, 1408], sizes = [512, 128], strides = [1, 1]} : vector<512x3200xf32> to vector<512x128xf32>
    %swap3A_66 = arith.constant 5632 : index
    %swap3A_67 = arith.constant 0 : index
    %swap3A_68 = vector.load %arg4[%swap3A_66, %swap3A_67] : memref<12800x128xf32, #tpu.memory_space<vmem>>, vector<512x128xf32>
    tpu.vector_store %arg4[%swap3A_66, %swap3A_67], %slice3A_65 {strides = array<i32>} : memref<12800x128xf32, #tpu.memory_space<vmem>>, vector<512x128xf32>,
    %slice3A_69 = vector.extract_strided_slice %dot_general3A_22 {offsets = [0, 1536], sizes = [512, 128], strides = [1, 1]} : vector<512x3200xf32> to vector<512x128xf32>
    %swap3A_70 = arith.constant 6144 : index
    %swap3A_71 = arith.constant 0 : index
    %swap3A_72 = vector.load %arg4[%swap3A_70, %swap3A_71] : memref<12800x128xf32, #tpu.memory_space<vmem>>, vector<512x128xf32>
    tpu.vector_store %arg4[%swap3A_70, %swap3A_71], %slice3A_69 {strides = array<i32>} : memref<12800x128xf32, #tpu.memory_space<vmem>>, vector<512x128xf32>,
    %slice3A_73 = vector.extract_strided_slice %dot_general3A_22 {offsets = [0, 1664], sizes = [512, 128], strides = [1, 1]} : vector<512x3200xf32> to vector<512x128xf32>
    %swap3A_74 = arith.constant 6656 : index
    %swap3A_75 = arith.constant 0 : index
    %swap3A_76 = vector.load %arg4[%swap3A_74, %swap3A_75] : memref<12800x128xf32, #tpu.memory_space<vmem>>, vector<512x128xf32>
    tpu.vector_store %arg4[%swap3A_74, %swap3A_75], %slice3A_73 {strides = array<i32>} : memref<12800x128xf32, #tpu.memory_space<vmem>>, vector<512x128xf32>,
    %slice3A_77 = vector.extract_strided_slice %dot_general3A_22 {offsets = [0, 1792], sizes = [512, 128], strides = [1, 1]} : vector<512x3200xf32> to vector<512x128xf32>
    %swap3A_78 = arith.constant 7168 : index
    %swap3A_79 = arith.constant 0 : index
    %swap3A_80 = vector.load %arg4[%swap3A_78, %swap3A_79] : memref<12800x128xf32, #tpu.memory_space<vmem>>, vector<512x128xf32>
    tpu.vector_store %arg4[%swap3A_78, %swap3A_79], %slice3A_77 {strides = array<i32>} : memref<12800x128xf32, #tpu.memory_space<vmem>>, vector<512x128xf32>,
    %slice3A_81 = vector.extract_strided_slice %dot_general3A_22 {offsets = [0, 1920], sizes = [512, 128], strides = [1, 1]} : vector<512x3200xf32> to vector<512x128xf32>
    %swap3A_82 = arith.constant 7680 : index
    %swap3A_83 = arith.constant 0 : index
    %swap3A_84 = vector.load %arg4[%swap3A_82, %swap3A_83] : memref<12800x128xf32, #tpu.memory_space<vmem>>, vector<512x128xf32>
    tpu.vector_store %arg4[%swap3A_82, %swap3A_83], %slice3A_81 {strides = array<i32>} : memref<12800x128xf32, #tpu.memory_space<vmem>>, vector<512x128xf32>,
    %slice3A_85 = vector.extract_strided_slice %dot_general3A_22 {offsets = [0, 2048], sizes = [512, 128], strides = [1, 1]} : vector<512x3200xf32> to vector<512x128xf32>
    %swap3A_86 = arith.constant 8192 : index
    %swap3A_87 = arith.constant 0 : index
    %swap3A_88 = vector.load %arg4[%swap3A_86, %swap3A_87] : memref<12800x128xf32, #tpu.memory_space<vmem>>, vector<512x128xf32>
    tpu.vector_store %arg4[%swap3A_86, %swap3A_87], %slice3A_85 {strides = array<i32>} : memref<12800x128xf32, #tpu.memory_space<vmem>>, vector<512x128xf32>,
    %slice3A_89 = vector.extract_strided_slice %dot_general3A_22 {offsets = [0, 2176], sizes = [512, 128], strides = [1, 1]} : vector<512x3200xf32> to vector<512x128xf32>
    %swap3A_90 = arith.constant 8704 : index
    %swap3A_91 = arith.constant 0 : index
    %swap3A_92 = vector.load %arg4[%swap3A_90, %swap3A_91] : memref<12800x128xf32, #tpu.memory_space<vmem>>, vector<512x128xf32>
    tpu.vector_store %arg4[%swap3A_90, %swap3A_91], %slice3A_89 {strides = array<i32>} : memref<12800x128xf32, #tpu.memory_space<vmem>>, vector<512x128xf32>,
    %slice3A_93 = vector.extract_strided_slice %dot_general3A_22 {offsets = [0, 2304], sizes = [512, 128], strides = [1, 1]} : vector<512x3200xf32> to vector<512x128xf32>
    %swap3A_94 = arith.constant 9216 : index
    %swap3A_95 = arith.constant 0 : index
    %swap3A_96 = vector.load %arg4[%swap3A_94, %swap3A_95] : memref<12800x128xf32, #tpu.memory_space<vmem>>, vector<512x128xf32>
    tpu.vector_store %arg4[%swap3A_94, %swap3A_95], %slice3A_93 {strides = array<i32>} : memref<12800x128xf32, #tpu.memory_space<vmem>>, vector<512x128xf32>,
    %slice3A_97 = vector.extract_strided_slice %dot_general3A_22 {offsets = [0, 2432], sizes = [512, 128], strides = [1, 1]} : vector<512x3200xf32> to vector<512x128xf32>
    %swap3A_98 = arith.constant 9728 : index
    %swap3A_99 = arith.constant 0 : index
    %swap3A_100 = vector.load %arg4[%swap3A_98, %swap3A_99] : memref<12800x128xf32, #tpu.memory_space<vmem>>, vector<512x128xf32>
    tpu.vector_store %arg4[%swap3A_98, %swap3A_99], %slice3A_97 {strides = array<i32>} : memref<12800x128xf32, #tpu.memory_space<vmem>>, vector<512x128xf32>,
    %slice3A_101 = vector.extract_strided_slice %dot_general3A_22 {offsets = [0, 2560], sizes = [512, 128], strides = [1, 1]} : vector<512x3200xf32> to vector<512x128xf32>
    %swap3A_102 = arith.constant 10240 : index
    %swap3A_103 = arith.constant 0 : index
    %swap3A_104 = vector.load %arg4[%swap3A_102, %swap3A_103] : memref<12800x128xf32, #tpu.memory_space<vmem>>, vector<512x128xf32>
    tpu.vector_store %arg4[%swap3A_102, %swap3A_103], %slice3A_101 {strides = array<i32>} : memref<12800x128xf32, #tpu.memory_space<vmem>>, vector<512x128xf32>,
    %slice3A_105 = vector.extract_strided_slice %dot_general3A_22 {offsets = [0, 2688], sizes = [512, 128], strides = [1, 1]} : vector<512x3200xf32> to vector<512x128xf32>
    %swap3A_106 = arith.constant 10752 : index
    %swap3A_107 = arith.constant 0 : index
    %swap3A_108 = vector.load %arg4[%swap3A_106, %swap3A_107] : memref<12800x128xf32, #tpu.memory_space<vmem>>, vector<512x128xf32>
    tpu.vector_store %arg4[%swap3A_106, %swap3A_107], %slice3A_105 {strides = array<i32>} : memref<12800x128xf32, #tpu.memory_space<vmem>>, vector<512x128xf32>,
    %slice3A_109 = vector.extract_strided_slice %dot_general3A_22 {offsets = [0, 2816], sizes = [512, 128], strides = [1, 1]} : vector<512x3200xf32> to vector<512x128xf32>
    %swap3A_110 = arith.constant 11264 : index
    %swap3A_111 = arith.constant 0 : index
    %swap3A_112 = vector.load %arg4[%swap3A_110, %swap3A_111] : memref<12800x128xf32, #tpu.memory_space<vmem>>, vector<512x128xf32>
    tpu.vector_store %arg4[%swap3A_110, %swap3A_111], %slice3A_109 {strides = array<i32>} : memref<12800x128xf32, #tpu.memory_space<vmem>>, vector<512x128xf32>,
    %slice3A_113 = vector.extract_strided_slice %dot_general3A_22 {offsets = [0, 2944], sizes = [512, 128], strides = [1, 1]} : vector<512x3200xf32> to vector<512x128xf32>
    %swap3A_114 = arith.constant 11776 : index
    %swap3A_115 = arith.constant 0 : index
    %swap3A_116 = vector.load %arg4[%swap3A_114, %swap3A_115] : memref<12800x128xf32, #tpu.memory_space<vmem>>, vector<512x128xf32>
    tpu.vector_store %arg4[%swap3A_114, %swap3A_115], %slice3A_113 {strides = array<i32>} : memref<12800x128xf32, #tpu.memory_space<vmem>>, vector<512x128xf32>,
    %slice3A_117 = vector.extract_strided_slice %dot_general3A_22 {offsets = [0, 3072], sizes = [512, 128], strides = [1, 1]} : vector<512x3200xf32> to vector<512x128xf32>
    %swap3A_118 = arith.constant 12288 : index
    %swap3A_119 = arith.constant 0 : index
    %swap3A_120 = vector.load %arg4[%swap3A_118, %swap3A_119] : memref<12800x128xf32, #tpu.memory_space<vmem>>, vector<512x128xf32>
    tpu.vector_store %arg4[%swap3A_118, %swap3A_119], %slice3A_117 {strides = array<i32>} : memref<12800x128xf32, #tpu.memory_space<vmem>>, vector<512x128xf32>,
    %slice3A_121 = vector.extract_strided_slice %dot_general3A_22 {offsets = [0, 0], sizes = [256, 3200], strides = [1, 1]} : vector<512x3200xf32> to vector<256x3200xf32>
    %reshape3A = vector.shape_cast %slice3A_121 : vector<256x3200xf32> to vector<256x25x128xf32>
    %reduce_max3A = arith.constant dense<0xFF800000> : vector<256x25xf32>
    %reduce_max3A_122 = vector.multi_reduction <maximumf>, %reshape3A, %reduce_max3A [2] : vector<256x25x128xf32> to vector<256x25xf32>
    %broadcast_in_dim3A_123 = arith.constant 0xFF800000 : f32
    %broadcast_in_dim3A_124 = vector.broadcast %broadcast_in_dim3A_123 : f32 to vector<256x103xf32>
    %concatenate3A = tpu.concatenate %reduce_max3A_122, %broadcast_in_dim3A_124 in 1 : vector<256x25xf32>, vector<256x103xf32> -> vector<256x128xf32>
    %swap3A_125 = arith.constant 0 : index
    %swap3A_126 = arith.constant 0 : index
    %swap3A_127 = vector.load %arg6[%swap3A_125, %swap3A_126] : memref<256x128xf32, #tpu.memory_space<vmem>>, vector<256x128xf32>
    tpu.vector_store %arg6[%swap3A_125, %swap3A_126], %concatenate3A {strides = array<i32>} : memref<256x128xf32, #tpu.memory_space<vmem>>, vector<256x128xf32>,
    %reduce_max3A_128 = arith.constant dense<0xFF800000> : vector<256xf32>
    %reduce_max3A_129 = vector.multi_reduction <maximumf>, %slice3A_121, %reduce_max3A_128 [1] : vector<256x3200xf32> to vector<256xf32>
    %broadcast_in_dim3A_130 = vector.shape_cast %reduce_max3A_129 : vector<256xf32> to vector<256x1xf32>
    %get3A_131 = arith.constant 0 : index
    %get3A_132 = arith.constant 0 : index
    %get3A_133 = vector.load %arg8[%get3A_131, %get3A_132] : memref<256x128xf32, #tpu.memory_space<vmem>>, vector<256x1xf32>
    %get3A_134 = arith.constant 0 : index
    %get3A_135 = arith.constant 0 : index
    %get3A_136 = vector.load %arg9[%get3A_134, %get3A_135] : memref<256x128xf32, #tpu.memory_space<vmem>>, vector<256x1xf32>
    %max3A = arith.maximumf %get3A_133, %broadcast_in_dim3A_130 : vector<256x1xf32>
    %sub3A = arith.subf %get3A_133, %max3A : vector<256x1xf32>
    %div3A_137 = arith.constant 7.000000e-03 : f32
    %div3A_138 = vector.broadcast %div3A_137 : f32 to vector<256x1xf32>
    %div3A_139 = arith.divf %sub3A, %div3A_138 : vector<256x1xf32>
    %exp3A = math.exp %div3A_139 : vector<256x1xf32>
    %mul3A_140 = arith.mulf %get3A_136, %exp3A : vector<256x1xf32>
    %sub3A_141 = vector.broadcast %max3A : vector<256x1xf32> to vector<256x3200xf32>
    %sub3A_142 = arith.subf %slice3A_121, %sub3A_141 : vector<256x3200xf32>
    %div3A_143 = arith.constant 7.000000e-03 : f32
    %div3A_144 = vector.broadcast %div3A_143 : f32 to vector<256x3200xf32>
    %div3A_145 = arith.divf %sub3A_142, %div3A_144 : vector<256x3200xf32>
    %exp3A_146 = math.exp %div3A_145 : vector<256x3200xf32>
    %reduce_sum3A_147 = arith.constant dense<0.000000e+00> : vector<256xf32>
    %reduce_sum3A_148 = vector.multi_reduction <add>, %exp3A_146, %reduce_sum3A_147 [1] : vector<256x3200xf32> to vector<256xf32>
    %broadcast_in_dim3A_149 = vector.shape_cast %reduce_sum3A_148 : vector<256xf32> to vector<256x1xf32>
    %add3A_150 = arith.addf %mul3A_140, %broadcast_in_dim3A_149 : vector<256x1xf32>
    %swap3A_151 = arith.constant 0 : index
    %swap3A_152 = arith.constant 0 : index
    %swap3A_153 = vector.load %arg8[%swap3A_151, %swap3A_152] : memref<256x128xf32, #tpu.memory_space<vmem>>, vector<256x1xf32>
    tpu.vector_store %arg8[%swap3A_151, %swap3A_152], %max3A {strides = array<i32>} : memref<256x128xf32, #tpu.memory_space<vmem>>, vector<256x1xf32>,
    %swap3A_154 = arith.constant 0 : index
    %swap3A_155 = arith.constant 0 : index
    %swap3A_156 = vector.load %arg9[%swap3A_154, %swap3A_155] : memref<256x128xf32, #tpu.memory_space<vmem>>, vector<256x1xf32>
    tpu.vector_store %arg9[%swap3A_154, %swap3A_155], %add3A_150 {strides = array<i32>} : memref<256x128xf32, #tpu.memory_space<vmem>>, vector<256x1xf32>,
    %eq3A_157 = arith.constant 14 : i32
    %eq3A_158 = arith.cmpi eq, %arg0, %eq3A_157 : i32
    %convert_element_type3A_159 = arith.extui %eq3A_158 : i1 to i32
    %cond3A_160 = arith.constant 0 : i32
    %cond3A_161 = arith.cmpi ne, %convert_element_type3A_159, %cond3A_160 : i32
    scf.if %cond3A_161 {
      %get3A_162 = arith.constant 0 : index
      %get3A_163 = arith.constant 0 : index
      %get3A_164 = vector.load %arg8[%get3A_162, %get3A_163] : memref<256x128xf32, #tpu.memory_space<vmem>>, vector<256x1xf32>
      %div3A_165 = arith.constant 7.000000e-03 : f32
      %div3A_166 = vector.broadcast %div3A_165 : f32 to vector<256x1xf32>
      %div3A_167 = arith.divf %get3A_164, %div3A_166 : vector<256x1xf32>
      %get3A_168 = arith.constant 0 : index
      %get3A_169 = arith.constant 0 : index
      %get3A_170 = vector.load %arg9[%get3A_168, %get3A_169] : memref<256x128xf32, #tpu.memory_space<vmem>>, vector<256x1xf32>
      %log3A = math.log %get3A_170 : vector<256x1xf32>
      %add3A_171 = arith.addf %div3A_167, %log3A : vector<256x1xf32>
      %broadcast_in_dim3A_172 = arith.constant 1.000000e+00 : f32
      %broadcast_in_dim3A_173 = vector.broadcast %broadcast_in_dim3A_172 : f32 to vector<1x128xf32>
      %mul3A_174 = vector.broadcast %add3A_171 : vector<256x1xf32> to vector<256x128xf32>
      %mul3A_175 = vector.broadcast %broadcast_in_dim3A_173 : vector<1x128xf32> to vector<256x128xf32>
      %mul3A_176 = arith.mulf %mul3A_174, %mul3A_175 : vector<256x128xf32>
      %swap3A_177 = arith.constant 0 : index
      %swap3A_178 = arith.constant 0 : index
      %swap3A_179 = vector.load %arg5[%swap3A_177, %swap3A_178] : memref<256x128xf32, #tpu.memory_space<vmem>>, vector<256x128xf32>
      tpu.vector_store %arg5[%swap3A_177, %swap3A_178], %mul3A_176 {strides = array<i32>} : memref<256x128xf32, #tpu.memory_space<vmem>>, vector<256x128xf32>,
    } else {
    }
    return
  }
  func.func @transform_0(%arg0: i32) -> (i32, i32) {
    %c0_i32 = arith.constant 0 : i32
    %c0_i32_0 = arith.constant 0 : i32
    %c0_i32_1 = arith.constant 0 : i32
    return %c0_i32, %c0_i32_0 : i32, i32
  }
  func.func @transform_1(%arg0: i32) -> (i32, i32) {
    %c0_i32 = arith.constant 0 : i32
    %c0_i32_0 = arith.constant 0 : i32
    return %arg0, %c0_i32 : i32, i32
  }
  func.func @transform_2(%arg0: i32) -> (i32, i32) {
    %c0_i32 = arith.constant 0 : i32
    %c0_i32_0 = arith.constant 0 : i32
    %c0_i32_1 = arith.constant 0 : i32
    return %c0_i32, %c0_i32_0 : i32, i32
  }
  func.func @transform_3(%arg0: i32) -> (i32, i32) {
    %c0_i32 = arith.constant 0 : i32
    %c0_i32_0 = arith.constant 0 : i32
    return %arg0, %c0_i32 : i32, i32
  }
  func.func @transform_4(%arg0: i32) -> (i32, i32) {
    %c0_i32 = arith.constant 0 : i32
    %c0_i32_0 = arith.constant 0 : i32
    %c0_i32_1 = arith.constant 0 : i32
    return %c0_i32, %c0_i32_0 : i32, i32
  }
  func.func @transform_5(%arg0: i32) -> (i32, i32) {
    %c0_i32 = arith.constant 0 : i32
    %c0_i32_0 = arith.constant 0 : i32
    return %c0_i32, %arg0 : i32, i32
  }
}

</mosaic_0001>

<sc_bundles>
// kernel: kernel.4.cloned.1.call-start
scs
__scs_entry_jumppad:
0x0: {  	(pc) =	sbr.rel $0x88, $3  }
0x1: {  	(tag) =	ssettag $0x0;
	lr =	simm.s32 $0x1  }
0x2: {  	[smem:$0x3F9B] =	sst lr;
	_ =	strace $0xD0000000  }
0x3: {  	_ = 	snop  }
0x4: {  	_ = 	snop  }
0x5: {  	_ = 	snop  }
0x6: {  	_ = 	snop  }
0x7: {  	_ = 	snop  }
__scs_overlays_trampoline_lowered:
0x8: {  	[smem:$0x3FAA] =	sst s0  }
0x9: {  	[smem:$0x3FAB] =	sst s1  }
0xa: {  	[smem:$0x3FAC] =	sst s2  }
0xb: {  	[smem:$0x3FAD] =	sst s3  }
0xc: {  	[smem:$0x3FAE] =	sst s4  }
0xd: {  	[smem:$0x3FAF] =	sst s5  }
0xe: {  	[smem:$0x3FB0] =	sst s6  }
0xf: {  	[smem:$0x3FB1] =	sst s7  }
0x10: {  	[smem:$0x3FB2] =	sst s8  }
0x11: {  	[smem:$0x3FB3] =	sst s9;
	s0 =	simm.s32 @!p0 $0x0  }
0x12: {  	s1 =	sld [smem:$0x3F99];
	s0 =	simm.s32 @p0 $0x1  }
0x13: {  	[smem:$0x3FB4] =	sst s0;
	s0 =	simm.s32 @!p1 $0x0  }
0x14: {  	s2 =	sld [smem:$0x3F98];
	s0 =	simm.s32 @p1 $0x1  }
0x15: {  	[smem:$0x3FB5] =	sst s0;
	s0 =	simm.s32 @!p2 $0x0  }
0x16: {  	s3 =	sld [smem:$0x3FDB];
	s0 =	simm.s32 @p2 $0x1  }
0x17: {  	s4 =	simm.s32 $0x1BF5;
	[smem:$0x3FB7] =	sst s0  }
0x18: {  	s0 =	sld [smem:$0x3F9A];
	_ =	swait.ge [sflag:s4], $0x0  }
0x19: {  	s7 =	sld [smem:$0x3F9B]  }
0x1a: {  	s8 =	sadd.s32 $0xFFFFE003, lr  }
0x1b: {  	s9 =	sadd.s32 $0xFFFFFEF7, lr;
	s5 =	simm.s32 $0xFFFFFFFF;
	p2 =	slt.u32 s8, $0xFFFFF086  }
0x1c: {  	p1 =	slt.u32 s9, $0xF7A;
	s5 =	simm.s32 @!p2 $0x0  }
0x1d: {  	s5 =	simm.s32 @p1 $0x1;
	p0 =	seq.s32 s7, s2  }
0x1e: {  	s7 =	smul.u32 @!p0 $0xF7A, s2;
	p2 =	seq.s32 @!p0 s5, $0x0  }
0x1f: {  	s9 =	smul.u32 $0xF7A, s1;
	s8 =	simm.s32 @!p0 $0x1BF5;
	p2 =	por !p2, p0  }
0x20: {  	[sflag:s8] =	ssyncset.s32 @!p0 $0xFFFFF086;
	s6 =	sadd.s32 @!p0 s3, s7;
	s7 =	simm.s32 @!p0 $0x108  }
0x21: {  	s3 =	sadd.s32 s3, s9;
	s6 =	sadd.s32 @!p0 $0x88, s6;
	s7 =	simm.s32 @p2 $0x1082  }
0x22: {  	[simem:s7], [sflag:s8] =	dma.local @!p0 [hbm:s6], $0xF7A  }
0x23: {  	s9 =	sor.u32 $0xD0000000, s2;
	s6 =	simm.s32 $0x108;
	_ =	swait.ge @!p0 [sflag:s8], $0x0  }
0x24: {  	s3 =	sadd.s32 $0x88, s3;
	s6 =	simm.s32 @!p1 $0x1082;
	[sflag:s4] =	ssyncset.s32 $0xFFFFF086  }
0x25: {  	[simem:s6], [sflag:s4] =	dma.local [hbm:s3], $0xF7A  }
0x26: {  	[smem:$0x3F9B] =	sst s1;
	(tag) =	ssettag s2;
	_ =	strace s9  }
0x27: {  	s1 =	sld [smem:$0x3FAB]  }
0x28: {  	s2 =	sld [smem:$0x3FAC]  }
0x29: {  	s4 =	sld [smem:$0x3FAE]  }
0x2a: {  	p0 =	seq.s32 s5, $0x0;
	s5 =	sld [smem:$0x3FAF]  }
0x2b: {  	s6 =	sld [smem:$0x3FB0]  }
0x2c: {  	s7 =	sld [smem:$0x3FB1]  }
0x2d: {  	s3 =	simm.s32 $0x108;
	s8 =	sld [smem:$0x3FB2]  }
0x2e: {  	s3 =	simm.s32 @!p0 $0x1082;
	s9 =	sld [smem:$0x3FB3]  }
0x2f: {  	lr =	sadd.s32 s0, s3;
	s0 =	sld [smem:$0x3FAA]  }
0x30: {  	s3 =	sld [smem:$0x3FAD]  }
0x31: {  	[smem:$0x3FB6] =	sst s10  }
0x32: {  	s10 =	sld [smem:$0x3FB4];
	_ =	sdelay $0x3  }
0x33: {  	p0 =	seq.s32 s10, $0x1;
	s10 =	sld [smem:$0x3FB6];
	_ =	sdelay $0x3  }
0x34: {  	[smem:$0x3FB6] =	sst s10  }
0x35: {  	s10 =	sld [smem:$0x3FB5];
	_ =	sdelay $0x3  }
0x36: {  	p1 =	seq.s32 s10, $0x1;
	s10 =	sld [smem:$0x3FB6];
	_ =	sdelay $0x3  }
0x37: {  	[smem:$0x3FB6] =	sst s10  }
0x38: {  	s10 =	sld [smem:$0x3FB7]  }
0x39: {  	_ = 	snop;
	(pc) =	sbr.ind lr, $3  }
0x3a: {  	_ = 	snop  }
0x3b: {  	_ = 	snop  }
0x3c: {  	p2 =	seq.s32 s10, $0x1;
	s10 =	sld [smem:$0x3FB6]  }
0x3d: {  	_ =	shalt  }
0x3e: {  	_ =	shalt  }
0x3f: {  	_ =	shalt  }
0x40: {  	_ =	shalt  }
0x41: {  	_ =	shalt  }
0x42: {  	_ =	shalt  }
0x43: {  	_ =	shalt  }
0x44: {  	_ =	shalt  }
0x45: {  	_ =	shalt  }
0x46: {  	_ =	shalt  }
0x47: {  	_ =	shalt  }
0x48: {  	_ =	shalt  }
0x49: {  	_ =	shalt  }
0x4a: {  	_ =	shalt  }
0x4b: {  	_ =	shalt  }
0x4c: {  	_ =	shalt  }
0x4d: {  	_ =	shalt  }
0x4e: {  	_ =	shalt  }
0x4f: {  	_ =	shalt  }
0x50: {  	_ =	shalt  }
0x51: {  	_ =	shalt  }
0x52: {  	_ =	shalt  }
0x53: {  	_ =	shalt  }
0x54: {  	_ =	shalt  }
0x55: {  	_ =	shalt  }
0x56: {  	_ =	shalt  }
0x57: {  	_ =	shalt  }
0x58: {  	_ =	shalt  }
0x59: {  	_ =	shalt  }
0x5a: {  	_ =	shalt  }
0x5b: {  	_ =	shalt  }
0x5c: {  	_ =	shalt  }
0x5d: {  	_ =	shalt  }
0x5e: {  	_ =	shalt  }
0x5f: {  	_ =	shalt  }
0x60: {  	_ =	shalt  }
0x61: {  	_ =	shalt  }
0x62: {  	_ =	shalt  }
0x63: {  	_ =	shalt  }
0x64: {  	_ =	shalt  }
0x65: {  	_ =	shalt  }
0x66: {  	_ =	shalt  }
0x67: {  	_ =	shalt  }
0x68: {  	_ =	shalt  }
0x69: {  	_ =	shalt  }
0x6a: {  	_ =	shalt  }
0x6b: {  	_ =	shalt  }
0x6c: {  	_ =	shalt  }
0x6d: {  	_ =	shalt  }
0x6e: {  	_ =	shalt  }
0x6f: {  	_ =	shalt  }
0x70: {  	_ =	shalt  }
0x71: {  	_ =	shalt  }
0x72: {  	_ =	shalt  }
0x73: {  	_ =	shalt  }
0x74: {  	_ =	shalt  }
0x75: {  	_ =	shalt  }
0x76: {  	_ =	shalt  }
0x77: {  	_ =	shalt  }
0x78: {  	_ =	shalt  }
0x79: {  	_ =	shalt  }
0x7a: {  	_ =	shalt  }
0x7b: {  	_ =	shalt  }
0x7c: {  	_ =	shalt  }
0x7d: {  	_ =	shalt  }
0x7e: {  	_ =	shalt  }
0x7f: {  	_ =	shalt  }
0x80: {  	_ =	shalt  }
0x81: {  	_ =	shalt  }
0x82: {  	_ =	shalt  }
0x83: {  	_ =	shalt  }
0x84: {  	_ =	shalt  }
0x85: {  	_ =	shalt  }
0x86: {  	_ =	shalt  }
0x87: {  	_ =	shalt  }
.Lfunc_end0:
.L_simem_size_0:
called_computation_lowered:
.L_overlay_start_0:
0x88: {  	s2 =	sld [smem:$0x3FD9]  }
0x89: {  	s3 =	sld [smem:$0x3FFE];
	_ =	sdelay $0x1  }
0x8a: {  	s1 =	srdreg.scid  }
0x8b: {  	s0 =	sand.u32 $0x1, s1  }
0x8c: {  	s16 =	sshll.u32 s0, $0xA;
	s2 =	sadd.s32 s3, s2  }
0x8d: {  	s2 =	sadd.s32 s2, s16  }
0x8e: {  	[smem:$0x3FC2] =	sst s2  }
0x8f: {  	_ = 	snop  }
0x90: {  	(tm) =	ssettm $0x1  }
0x91: {  	s17 =	sld [smem:$0x3FFB];
	_ =	sdelay $0x3  }
0x92: {  	_ =	strace s17  }
0x93: {  	s2 =	sld [smem:$0x3FFC];
	_ =	sdelay $0x3  }
0x94: {  	_ =	strace s2  }
0x95: {  	s2 =	sld [smem:$0x3FFD];
	_ =	sdelay $0x3  }
0x96: {  	_ =	strace s2  }
0x97: {  	_ =	strace $0x8FFFFFFF  }
0x98: {  	s18 =	sld [smem:$0x3FDB];
	_ =	sdelay $0x1  }
0x99: {  	s19 =	simm.s32 $_scs_section_size  }
0x9a: {  	s4 =	simm.s32 $_size__tile_overlayer_lowered;
	s5 =	simm.s32 $_tile_overlayer_lowered  }
0x9b: {  	s22 =	simm.s32 $0x1BFF;
	s21 =	sshll.u32 s5, $0x1;
	s2 =	sadd.s32 s19, s18  }
0x9c: {  	s6 =	simm.s32 $0x0;
	s20 =	sshll.u32 s4, $0x1;
	s4 =	sadd.s32 s21, s2  }
0x9d: {  	[timem:s6], [sflag:s22] =	dma.local [hbm:s4], s20  }
0x9e: {  	_ =	swait.ge [sflag:s22], s20  }
0x9f: {  	s3 =	ssub.s32 $0x0, s20;
	[sflag:s22] =	ssyncset.done $0x0  }
0xa0: {  	[sflag:s22] =	ssyncadd.s32 s3;
	_ =	sdelay $0x1  }
0xa1: {  	s23 =	simm.s32 $0x1B8B  }
0xa2: {  	_ =	swait.ge [sflag:s23], $0x1  }
0xa3: {  	[sflag:s23] =	ssyncset.done $0x0  }
0xa4: {  	s25 =	simm.s32 $0x1B8E;
	s24 =	sld [smem:$0x3FFE];
	[sflag:s23] =	ssyncadd.s32 $0xFFFFFFFF  }
0xa5: {  	s26 =	simm.s32 $execute0_lowered;
	[smem:$0x3FD2] =	sst s25  }
0xa6: {  	s4 =	sshll.u32 s26, $0x1;
	_ =	strace $0x80000046;
	[dreg:$0x1] =	wrdreg $0xFFFFFFFF  }
0xa7: {  	s28 =	simm.s32 $_size_execute0_lowered;
	s2 =	sadd.s32 s2, s4;
	[dreg:$0x0] =	wrdreg $0x0  }
0xa8: {  	s4 =	sshll.u32 s28, $0x1;
	[dreg:$0x2] =	wrdreg s2  }
0xa9: {  	[dreg:$0x3] =	wrdreg s4  }
0xaa: {  	[dreg:$0x4] =	wrdreg $0xC0  }
0xab: {  	_ =	task [dreg:s6], $0x5FFFF  }
0xac: {  	[dreg:$0x1] =	wrdreg $0xFFFFFFFF  }
0xad: {  	[dreg:$0x0] =	wrdreg $0x60  }
0xae: {  	[dreg:$0x2] =	wrdreg s24  }
0xaf: {  	[dreg:$0x3] =	wrdreg $0x9  }
0xb0: {  	_ =	task.clear_ibuf [dreg:s6], $0x4FFFF;
	_ =	strace $0x90000046  }
0xb1: {  	s29 =	simm.s32 $0x9;
	_ =	strace $0x80000048  }
0xb2: {  	_ =	swait.ge [sflag:s29], $0x1  }
0xb3: {  	[sflag:s29] =	ssyncadd.s32 $0xFFFFFFFF  }
0xb4: {  	_ =	strace $0x90000048  }
0xb5: {  	_ =	sfence  }
0xb6: {  	s30 =	sld [smem:$0x0];
	_ =	sdelay $0x2  }
0xb7: {  	s31 =	sshll.u32 s1, $0xD;
	s1 =	sshrl.u32 s1, $0x2  }
0xb8: {  	s3 =	sand.u32 $0x4000, s31;
	s1 =	sadd.s32 s1, s30  }
0xb9: {  	s0 =	sor.u32 s3, s0;
	s1 =	sshll.u32 s1, $0x11  }
0xba: {  	s0 =	sor.u32 s1, s0  }
0xbb: {  	s0 =	sadd.s32 $0x8F2B, s0  }
0xbc: {  	[sflag:s0] =	ssyncadd.remote.s32 $0x1  }
0xbd: {  	_ =	sfence.sel $0xFFFF  }
0xbe: {  	[dreg:$0x0] =	wrdreg $0xFFFFFFFF;
	(pc) =	sbr.abs _section_cstart, $3  }
0xbf: {  	[dreg:$0x1] =	wrdreg $0xFFFFFFFF  }
0xc0: {  	_ =	task.clear_ibuf [dreg:s6], $0x2FFFF;
	_ =	strace $0x9FFFFFFF  }
0xc1: {  	(tm) =	ssettm $0x7FFFFFFF  }
tec
execute0_lowered:
.L_overlay_start_1:
0x0: {  	(tag) =	ssettag $0x1  }
0x1: {  	s0 =	srdreg.scid  }
0x2: {  	s1 =	stileid.u32;
	s9 =	rddreg [dreg:$0x0];
	s3 =	simm.s32 $0x0  }
0x3: {  	s13 =	simm.s32 $0x3;
	s14 =	simm.s32 $0x6480;
	s15 =	simm.s32 $0x3C00  }
0x4: {  	s16 =	simm.s32 $0x1;
	s17 =	simm.s32 $0x3C80;
	s18 =	simm.s32 $0x3D00  }
0x5: {  	s19 =	simm.s32 $0x20;
	s26 =	simm.s32 $0x3E80;
	s30 =	simm.s32 $0x3F00  }
0x6: {  	s28 =	simm.s32 $0x6500;
	s29 =	simm.s32 $0x6580;
	s31 =	simm.s32 $0x6600  }
0x7: {  	s0 =	sand.u32 $0x1, s0;
	s1 =	sshll.u32 s1, $0x1;
	[smem:$0x7FF] =	sst s3  }
0x8: {  	s4 =	sadd.s32 $0x3BA00, s9;
	_ =	strace $0x80000047;
	[dreg:$0x2] =	wrdreg s26  }
0x9: {  	s1 =	sor.u32 s0, s1;
	s0 =	ssub.s32 $0x2, s0;
	[dreg:$0x3] =	wrdreg s30  }
0xa: {  	s26 =	simm.s32 $0x2;
	s2 =	smul.u32 $0x780, s1;
	s5 =	sshll.u32 s1, $0x7  }
0xb: {  	s20 =	sshll.u32 s1, $0x4;
	s7 =	sshrl.u32 s0, $0x1;
	s8 =	sadd.s32 s1, s9  }
0xc: {  	s6 =	sadd.s32 s5, s9;
	s0 =	ssub.s32 s0, s7;
	s22 =	sadd.s32 $0x3B800, s8  }
0xd: {  	s5 =	sshll.u32 s1, $0x3;
	s21 =	sadd.s32 $0x329A00, s6;
	[dreg:$0x5] =	wrdreg s22  }
0xe: {  	s2 =	sadd.s32 s2, s9;
	s0 =	smax.u32 s0, $0x1;
	[dreg:$0x4] =	wrdreg s21  }
0xf: {  	s9 =	sadd.s32 s20, s9;
	s23 =	sadd.s32 $0x32AA00, s2;
	[dreg:$0x9] =	wrdreg s0  }
0x10: {  	s1 =	simm.s32 $0x0;
	s24 =	sadd.s32 $0x1800, s9;
	[dreg:$0x6] =	wrdreg s23  }
0x11: {  	s20 =	simm.s32 $0x3F80;
	s25 =	sadd.s32 $0x1A00, s9;
	[dreg:$0x7] =	wrdreg s24  }
0x12: {  	v0 =	vlaneseq.u32;
	s22 =	simm.s32 $0x4000;
	s21 =	simm.s32 $0x4080;
	[dreg:$0x8] =	wrdreg s25  }
0x13: {  	v1 =	vimm.f32 $-Inf;
	vm0 =	vmxor vm0, vm0;
	v2 =	vor.u32 $0x80000000, v0;
	s23 =	simm.s32 $0x5080;
	s24 =	simm.s32 $0x3D80;
	s25 =	simm.s32 $0x3E00  }
.LBB2_1:
0x14: {  	[dreg:$0xa] =	wrdreg s1  }
0x15: {  	s0 =	rddreg [dreg:$0x4];
	s10 =	simm.s32 $0x6080  }
0x16: {  	[tilespmem:s10], [sflag:$0x3] =	stream.linear.gather [hbm4b:s0+s3], $0x400, $0x38;
	[tilespmem:$0x6B00] =	vst v63  }
0x17: {  	_ =	swait.ge [sflag:s13], $0x400  }
0x18: {  	[sflag:s13] =	ssyncset.done $0x0  }
0x19: {  	s11 =	rddreg [dreg:$0x5];
	[sflag:s13] =	ssyncadd.s32 $0xFFFFFC00  }
0x1a: {  	[tilespmem:s14], [sflag:$0x3] =	stream.linear.gather [hbm4b:s11+s3], $0x10, $0x38;
	[tilespmem:$0x6B00] =	vst v63  }
0x1b: {  	_ =	swait.ge [sflag:s13], $0x10  }
0x1c: {  	[sflag:s13] =	ssyncset.done $0x0  }
0x1d: {  	s12 =	rddreg [dreg:$0x6];
	[sflag:s13] =	ssyncadd.s32 $0xFFFFFFF0  }
0x1e: {  	[tilespmem:s3], [sflag:$0x3] =	stream.linear.gather [hbm4b:s12+s3], $0x3C00, $0x38;
	[tilespmem:$0x6B00] =	vst v63  }
0x1f: {  	_ =	swait.ge [sflag:s13], $0x3C00  }
0x20: {  	[sflag:s13] =	ssyncset.done $0x0  }
0x21: {  	s30 =	simm.f32 $0.0e+00;
	s1 =	simm.s32 $0x0;
	[sflag:s13] =	ssyncadd.s32 $0xFFFFC400  }
.LBB2_2:
0x22: {  	s0 =	sshll.u32 s1, $0x9;
	s7 =	simm.s32 $0x0  }
0x23: {  	s0 =	sshrl.u32 s0, $0x2;
	s2 =	sand.u32 $0x3C00, s7  }
0x24: {  	s6 =	sand.u32 $0x70, s7;
	s2 =	sadd.s32 s2, s0  }
0x25: {  	[tilespmem:$0x3C70] =	vst v1;
	s2 =	sadd.s32 s6, s2  }
0x26: {  	v3 =	vld [tilespmem:s2+$0x0];
	_ =	sdelay $0x4  }
0x27: {  	(xrf0) =	vmax.scan.msk.f32 $0xffff, v3;
	_ =	sdelay $0x3  }
0x28: {  	v3 =	vmov s7;
	_ =	sdelay $0x1  }
0x29: {  	s8 =	simm.s32 $0x10;
	s6 =	simm.s32 $0x80;
	v4, _, _ =	vpop (xrf0)  }
0x2a: {  	s2 =	simm.s32 $0x1;
	s9 =	sand.u32 $0x3C00, s6;
	s7 =	simm.s32 $0x2;
	v4 =	vbroadcast v4, $0xF  }
.LBB2_3:
0x2b: {  	p0 =	seq.s32 s7, $0x77;
	s10 =	sand.u32 $0x70, s8;
	s9 =	sadd.s32 s9, s0  }
0x2c: {  	s9 =	sadd.s32 s10, s9;
	[tilespmem:v3+s15+$0x0] =	vst.idx.msk $0x1, v4  }
0x2d: {  	v3 =	vld [tilespmem:s9+$0x0];
	_ =	sdelay $0x4  }
0x2e: {  	(xrf0) =	vmax.scan.msk.f32 $0xffff, v3;
	_ =	sdelay $0x2  }
.Ltmp0:
0x2f: {  	(pc) =	sbr.rel @!p0 .LBB2_3-.Ltmp0, $3  }
0x30: {  	v3 =	vmov s2;
	s2 =	smov.u32 s7;
	_ =	sdelay $0x1  }
0x31: {  	s6 =	sadd.s32 $0x80, s6;
	v4, _, _ =	vpop (xrf0)  }
0x32: {  	s8 =	sadd.s32 $0x10, s8;
	s9 =	sand.u32 $0x3C00, s6;
	s7 =	sadd.s32 $0x1, s7;
	v4 =	vbroadcast v4, $0xF  }
0x33: {  	_ =	sdelay $0x2  }
0x34: {  	s6 =	sand.u32 $0x70, s8;
	s7 =	sadd.s32 s9, s0  }
0x35: {  	s6 =	sadd.s32 s6, s7;
	[tilespmem:v3+s15+$0x0] =	vst.idx.msk $0x1, v4  }
0x36: {  	v3 =	vld [tilespmem:s6+$0x0];
	_ =	sdelay $0x4  }
0x37: {  	(xrf0) =	vmax.scan.msk.f32 $0xffff, v3;
	_ =	sdelay $0x3  }
0x38: {  	v3 =	vmov s2;
	_ =	sdelay $0x1  }
0x39: {  	v4, _, _ =	vpop (xrf0)  }
0x3a: {  	v4 =	vbroadcast v4, $0xF;
	_ =	sdelay $0x1  }
0x3b: {  	[tilespmem:v3+s15+$0x0] =	vst.idx.msk $0x1, v4  }
0x3c: {  	v5 =	vld [tilespmem:$0x3C00];
	_ =	sdelay $0x2  }
0x3d: {  	v6 =	vld [tilespmem:$0x3C10];
	_ =	sdelay $0x1  }
0x3e: {  	(xrf0) =	vmax.scan.msk.f32 $0xffff, v5  }
0x3f: {  	v5 =	vld [tilespmem:$0x3C20];
	_ =	sdelay $0x1  }
0x40: {  	(xrf0) =	vmax.scan.msk.f32 $0xffff, v6  }
0x41: {  	v6 =	vld [tilespmem:$0x3C30];
	_ =	sdelay $0x1  }
0x42: {  	(xrf0) =	vmax.scan.msk.f32 $0xffff, v5;
	v5, _, _ =	vpop (xrf0)  }
0x43: {  	v7 =	vld [tilespmem:$0x3C40];
	(v2sf) =	vpush v5, $0xF;
	_ =	sdelay $0x1  }
0x44: {  	v5, _, _ =	vpop (xrf0);
	(xrf0) =	vmax.scan.msk.f32 $0xffff, v6  }
0x45: {  	v6 =	vld [tilespmem:$0x3C50];
	(v2sf) =	vpush v5, $0xF;
	_ =	sdelay $0x1  }
0x46: {  	v5, _, _ =	vpop (xrf0);
	(xrf0) =	vmax.scan.msk.f32 $0xffff, v7  }
0x47: {  	v7 =	vld [tilespmem:$0x3C60];
	(v2sf) =	vpush v5, $0xF;
	_ =	sdelay $0x1  }
0x48: {  	(xrf0) =	vmax.scan.msk.f32 $0xffff, v6;
	v5, _, _ =	vpop (xrf0)  }
0x49: {  	v6 =	vld [tilespmem:$0x3C70];
	(v2sf) =	vpush v5, $0xF;
	_ =	sdelay $0x1  }
0x4a: {  	(xrf0) =	vmax.scan.msk.f32 $0xffff, v7;
	v5, _, _ =	vpop (xrf0)  }
0x4b: {  	(v2sf) =	vpush v5, $0xF;
	_ =	sdelay $0x1  }
0x4c: {  	(xrf0) =	vmax.scan.msk.f32 $0xffff, v6;
	v5, _, _ =	vpop (xrf0)  }
0x4d: {  	(v2sf) =	vpush v5, $0xF;
	s6 =	spop (v2sf)  }
0x4e: {  	p0 =	sgt.f32 s6, $-Inf  }
0x4f: {  	v5, _, _ =	vpop (xrf0)  }
0x50: {  	s7 =	spop (v2sf);
	(v2sf) =	vpush v5, $0xF;
	s6 =	simm.s32 @!p0 $0xFF800000  }
0x51: {  	p0 =	sgt.f32 s7, s6  }
0x52: {  	v5, _, _ =	vpop (xrf0)  }
0x53: {  	(v2sf) =	vpush v5, $0xF;
	s8 =	spop (v2sf);
	s6 =	smov.u32 @p0 s7  }
0x54: {  	p1 =	sgt.f32 s8, s6;
	_ =	sdelay $0x1  }
0x55: {  	s7 =	spop (v2sf);
	s6 =	smov.u32 @p1 s8  }
0x56: {  	p2 =	sgt.f32 s7, s6;
	_ =	sdelay $0x1  }
0x57: {  	s8 =	spop (v2sf);
	s6 =	smov.u32 @p2 s7  }
0x58: {  	p3 =	sgt.f32 s8, s6;
	_ =	sdelay $0x1  }
0x59: {  	s7 =	spop (v2sf);
	s6 =	smov.u32 @p3 s8  }
0x5a: {  	p4 =	sgt.f32 s7, s6  }
0x5b: {  	s8 =	simm.s32 $0x10  }
0x5c: {  	s8 =	simm.s32 @!p0 $0x0;
	s9 =	spop (v2sf);
	s6 =	smov.u32 @p4 s7  }
0x5d: {  	s8 =	simm.s32 @p1 $0x20;
	p0 =	sgt.f32 s9, s6  }
0x5e: {  	s8 =	simm.s32 @p2 $0x30  }
0x5f: {  	s7 =	spop (v2sf);
	s8 =	simm.s32 @p3 $0x40;
	s6 =	smov.u32 @p0 s9  }
0x60: {  	s8 =	simm.s32 @p4 $0x50;
	p1 =	sgt.f32 s7, s6  }
0x61: {  	s8 =	simm.s32 @p0 $0x60  }
0x62: {  	s8 =	simm.s32 @p1 $0x70  }
0x63: {  	v5 =	vld [tilespmem:s8+$0x3C00];
	_ =	sdelay $0x3  }
0x64: {  	s6 =	smov.u32 @p1 s7  }
0x65: {  	vm1 =	veq.f32 v5, s6  }
0x66: {  	v5 =	vnsel vm1, $0x80000063, v2  }
0x67: {  	(xrf0) =	vmin.scan.msk.u32 $0xffff, v5;
	_ =	sdelay $0x5  }
0x68: {  	v5, _, _ =	vpop (xrf0)  }
0x69: {  	(v2sf) =	vpush v5, $0xF;
	_ =	sdelay $0xe  }
0x6a: {  	s9 =	spop (v2sf)  }
0x6b: {  	s7 =	sadd.s32 s9, s8  }
0x6c: {  	s7 =	sadd.s32 $0x80000000, s7  }
0x6d: {  	s10 =	sshll.u32 s7, $0x7  }
0x6e: {  	s11 =	sshll.u32 s7, $0x4;
	s8 =	sand.u32 $0xFFFFFC00, s10  }
0x6f: {  	s10 =	sand.u32 $0x70, s11;
	s8 =	sadd.s32 s8, s0  }
0x70: {  	s8 =	sadd.s32 s10, s8  }
0x71: {  	v5 =	vld [tilespmem:s8+$0x0];
	_ =	sdelay $0x4  }
0x72: {  	vm1 =	veq.f32 v5, s6  }
0x73: {  	v5 =	vnsel vm1, $0x80000063, v2  }
0x74: {  	(xrf0) =	vmin.scan.msk.u32 $0xffff, v5;
	_ =	sdelay $0x5  }
0x75: {  	v5, _, _ =	vpop (xrf0)  }
0x76: {  	(v2sf) =	vpush v5, $0xF;
	_ =	sdelay $0xe  }
0x77: {  	s12 =	spop (v2sf)  }
0x78: {  	s9 =	sadd.s32 s12, s11  }
0x79: {  	s9 =	sadd.s32 $0x80000000, s9  }
0x7a: {  	s11 =	sshra.s32 s9, $0x1F  }
0x7b: {  	s10 =	sshrl.u32 s11, $0x19  }
0x7c: {  	s10 =	sadd.s32 s10, s9  }
0x7d: {  	v3 =	vmov s1;
	s11 =	sand.u32 $0xFFFFFF80, s10  }
0x7e: {  	v4 =	vshll.u32 v3, $0x7;
	p5 =	slt.s32 s9, $0x1;
	p6 =	sne.s32 s9, s11  }
0x7f: {  	v4 =	vand.u32 $0x380, v4;
	p0 =	por !p5, !p6  }
0x80: {  	s2 =	simm.s32 $0x0;
	v4 =	vbroadcast v4, $0x0;
	v5 =	vmov s9;
	s11 =	simm.s32 $0x1;
	p0 =	por !p0, !p0  }
0x81: {  	v6 =	vmov s2;
	v7 =	vand.u32 $0x7F, v5;
	v5 =	vshll.u32 v5, $0x3;
	s12 =	sshra.s32 s10, $0x7;
	s11 =	simm.s32 @!p0 $0x0  }
0x82: {  	v5 =	vand.u32 $0xFFFFFC00, v5;
	v7 =	vor.u32 v4, v7;
	s2 =	ssub.s32 s12, s11  }
0x83: {  	v5 =	vor.u32 v5, v7;
	s2 =	smul.u32 $0x19, s2  }
0x84: {  	s9 =	sand.u32 $0x7F, s9  }
0x85: {  	v7 =	vmov s6;
	s2 =	sadd.s32 s9, s2  }
0x86: {  	[tilespmem:v6+s17+$0x0] =	vst.idx.msk $0x1, v7;
	v7 =	vmov s2  }
0x87: {  	[tilespmem:v6+s18+$0x0] =	vst.idx.msk $0x1, v7  }
0x88: {  	[tilespmem:v5+s3+$0x0] =	vst.idx.msk $0x1, v1  }
0x89: {  	v5 =	vld [tilespmem:s8+$0x0];
	_ =	sdelay $0x4  }
0x8a: {  	(xrf0) =	vmax.scan.msk.f32 $0xffff, v5;
	_ =	sdelay $0x3  }
0x8b: {  	v5 =	vmov s7;
	_ =	sdelay $0x1  }
0x8c: {  	v6, _, _ =	vpop (xrf0)  }
0x8d: {  	s2 =	simm.s32 $0x1;
	v6 =	vbroadcast v6, $0xF  }
.LBB2_5:
0x8e: {  	p0 =	sne.s32 s2, $0x1F;
	s6 =	smov.u32 s2;
	s2 =	sadd.s32 $0x1, s2  }
0x8f: {  	[tilespmem:v5+s15+$0x0] =	vst.idx.msk $0x1, v6  }
0x90: {  	v5 =	vld [tilespmem:$0x3C00];
	_ =	sdelay $0x1  }
0x91: {  	v6 =	vld [tilespmem:$0x3C10];
	_ =	sdelay $0x2  }
0x92: {  	v7 =	vld [tilespmem:$0x3C20];
	(xrf0) =	vmax.scan.msk.f32 $0xffff, v5;
	_ =	sdelay $0x1  }
0x93: {  	(xrf0) =	vmax.scan.msk.f32 $0xffff, v6  }
0x94: {  	v5 =	vld [tilespmem:$0x3C30];
	_ =	sdelay $0x1  }
0x95: {  	(xrf0) =	vmax.scan.msk.f32 $0xffff, v7  }
0x96: {  	v6 =	vld [tilespmem:$0x3C40];
	v7, _, _ =	vpop (xrf0)  }
0x97: {  	(v2sf) =	vpush v7, $0xF  }
0x98: {  	v7, _, _ =	vpop (xrf0);
	(xrf0) =	vmax.scan.msk.f32 $0xffff, v5  }
0x99: {  	v5 =	vld [tilespmem:$0x3C50];
	(v2sf) =	vpush v7, $0xF;
	_ =	sdelay $0x1  }
0x9a: {  	v7, _, _ =	vpop (xrf0);
	(xrf0) =	vmax.scan.msk.f32 $0xffff, v6  }
0x9b: {  	v6 =	vld [tilespmem:$0x3C60];
	(v2sf) =	vpush v7, $0xF;
	_ =	sdelay $0x1  }
0x9c: {  	v7, _, _ =	vpop (xrf0);
	(xrf0) =	vmax.scan.msk.f32 $0xffff, v5  }
0x9d: {  	v5 =	vld [tilespmem:$0x3C70];
	(v2sf) =	vpush v7, $0xF;
	_ =	sdelay $0x1  }
0x9e: {  	v7, _, _ =	vpop (xrf0);
	(xrf0) =	vmax.scan.msk.f32 $0xffff, v6  }
0x9f: {  	(v2sf) =	vpush v7, $0xF;
	_ =	sdelay $0x1  }
0xa0: {  	v6, _, _ =	vpop (xrf0);
	(xrf0) =	vmax.scan.msk.f32 $0xffff, v5  }
0xa1: {  	(v2sf) =	vpush v6, $0xF  }
0xa2: {  	s7 =	spop (v2sf)  }
0xa3: {  	p1 =	sgt.f32 s7, $-Inf;
	v5, _, _ =	vpop (xrf0)  }
0xa4: {  	s8 =	spop (v2sf);
	(v2sf) =	vpush v5, $0xF  }
0xa5: {  	s7 =	simm.s32 @!p1 $0xFF800000  }
0xa6: {  	p1 =	sgt.f32 s8, s7;
	v5, _, _ =	vpop (xrf0)  }
0xa7: {  	s9 =	spop (v2sf);
	(v2sf) =	vpush v5, $0xF  }
0xa8: {  	s7 =	smov.u32 @p1 s8  }
0xa9: {  	p2 =	sgt.f32 s9, s7  }
0xaa: {  	s8 =	spop (v2sf)  }
0xab: {  	s7 =	smov.u32 @p2 s9  }
0xac: {  	p3 =	sgt.f32 s8, s7  }
0xad: {  	s9 =	spop (v2sf)  }
0xae: {  	s7 =	smov.u32 @p3 s8  }
0xaf: {  	p4 =	sgt.f32 s9, s7  }
0xb0: {  	s8 =	spop (v2sf)  }
0xb1: {  	s7 =	smov.u32 @p4 s9;
	s9 =	simm.s32 $0x10  }
0xb2: {  	p5 =	sgt.f32 s8, s7;
	s9 =	simm.s32 @!p1 $0x0  }
0xb3: {  	s10 =	spop (v2sf)  }
0xb4: {  	s9 =	simm.s32 @p2 $0x20;
	s7 =	smov.u32 @p5 s8  }
0xb5: {  	s9 =	simm.s32 @p3 $0x30;
	p1 =	sgt.f32 s10, s7  }
0xb6: {  	s8 =	spop (v2sf)  }
0xb7: {  	s9 =	simm.s32 @p4 $0x40;
	s7 =	smov.u32 @p1 s10  }
0xb8: {  	s9 =	simm.s32 @p5 $0x50;
	p2 =	sgt.f32 s8, s7  }
0xb9: {  	s9 =	simm.s32 @p1 $0x60  }
0xba: {  	s7 =	smov.u32 @p2 s8;
	s9 =	simm.s32 @p2 $0x70  }
0xbb: {  	v5 =	vld [tilespmem:s9+$0x3C00];
	_ =	sdelay $0x4  }
0xbc: {  	vm1 =	veq.f32 v5, s7  }
0xbd: {  	v5 =	vnsel vm1, $0x80000063, v2  }
0xbe: {  	(xrf0) =	vmin.scan.msk.u32 $0xffff, v5;
	_ =	sdelay $0x5  }
0xbf: {  	v5, _, _ =	vpop (xrf0)  }
0xc0: {  	(v2sf) =	vpush v5, $0xF;
	_ =	sdelay $0xe  }
0xc1: {  	s8 =	spop (v2sf)  }
0xc2: {  	s8 =	sadd.s32 s8, s9  }
0xc3: {  	s8 =	sadd.s32 $0x80000000, s8  }
0xc4: {  	v5 =	vmov s6;
	s9 =	sshll.u32 s8, $0x4;
	s10 =	sshll.u32 s8, $0x7  }
0xc5: {  	s6 =	sand.u32 $0x70, s9;
	s10 =	sand.u32 $0xFFFFFC00, s10  }
0xc6: {  	s10 =	sadd.s32 s10, s0  }
0xc7: {  	s6 =	sadd.s32 s6, s10  }
0xc8: {  	v6 =	vmov s7;
	v7 =	vld [tilespmem:s6+$0x0]  }
0xc9: {  	[tilespmem:v5+s17+$0x0] =	vst.idx.msk $0x1, v6;
	_ =	sdelay $0x3  }
0xca: {  	vm1 =	veq.f32 v7, s7  }
0xcb: {  	v6 =	vnsel vm1, $0x80000063, v2  }
0xcc: {  	(xrf0) =	vmin.scan.msk.u32 $0xffff, v6;
	_ =	sdelay $0x5  }
0xcd: {  	v6, _, _ =	vpop (xrf0)  }
0xce: {  	(v2sf) =	vpush v6, $0xF;
	_ =	sdelay $0xe  }
0xcf: {  	s7 =	spop (v2sf)  }
0xd0: {  	s7 =	sadd.s32 s7, s9  }
0xd1: {  	s7 =	sadd.s32 $0x80000000, s7  }
0xd2: {  	s9 =	sshra.s32 s7, $0x1F;
	v6 =	vmov s7  }
0xd3: {  	s9 =	sshrl.u32 s9, $0x19;
	v7 =	vand.u32 $0x7F, v6;
	v6 =	vshll.u32 v6, $0x3  }
0xd4: {  	s9 =	sadd.s32 s9, s7;
	v6 =	vand.u32 $0xFFFFFC00, v6;
	v7 =	vor.u32 v4, v7  }
0xd5: {  	p1 =	slt.s32 s7, $0x1;
	s10 =	sand.u32 $0xFFFFFF80, s9;
	v6 =	vor.u32 v6, v7  }
0xd6: {  	p2 =	sne.s32 s7, s10  }
0xd7: {  	p1 =	por !p1, !p2  }
0xd8: {  	s9 =	sshra.s32 s9, $0x7;
	s10 =	simm.s32 $0x1;
	p1 =	por !p1, !p1  }
0xd9: {  	s10 =	simm.s32 @!p1 $0x0  }
0xda: {  	s9 =	ssub.s32 s9, s10  }
0xdb: {  	s7 =	sand.u32 $0x7F, s7;
	s9 =	smul.u32 $0x19, s9;
	_ =	sdelay $0x1  }
0xdc: {  	s7 =	sadd.s32 s7, s9  }
0xdd: {  	v7 =	vmov s7  }
0xde: {  	[tilespmem:v5+s18+$0x0] =	vst.idx.msk $0x1, v7  }
0xdf: {  	[tilespmem:v6+s3+$0x0] =	vst.idx.msk $0x1, v1  }
0xe0: {  	v5 =	vld [tilespmem:s6+$0x0];
	_ =	sdelay $0x4  }
0xe1: {  	(xrf0) =	vmax.scan.msk.f32 $0xffff, v5;
	_ =	sdelay $0x2  }
.Ltmp1:
0xe2: {  	v5 =	vmov s8;
	(pc) =	sbr.rel @p0 .LBB2_5-.Ltmp1, $3  }
0xe3: {  	_ =	sdelay $0x1  }
0xe4: {  	v6, _, _ =	vpop (xrf0)  }
0xe5: {  	v6 =	vbroadcast v6, $0xF  }
0xe6: {  	_ =	sdelay $0x3  }
0xe7: {  	[tilespmem:v5+s15+$0x0] =	vst.idx.msk $0x1, v6  }
0xe8: {  	v4 =	vld [tilespmem:$0x3D00];
	_ =	sdelay $0x1  }
0xe9: {  	v5 =	vld [tilespmem:$0x3D10];
	_ =	sdelay $0x1  }
0xea: {  	s2 =	sadd.s32 s5, s1  }
0xeb: {  	v6 =	vmov s2;
	v4 =	vshll.u32 v4, $0x9  }
0xec: {  	v6 =	vor.u32 $0x100, v6;
	v7 =	vor.u32 s2, v4  }
0xed: {  	v5 =	vshll.u32 v5, $0x9;
	v4 =	vor.u32 v4, v6;
	[tilespmem:$0x3F80] =	vst v7  }
0xee: {  	v7 =	vor.u32 s2, v5;
	[tilespmem:$0x4000] =	vst v4  }
0xef: {  	v4 =	vor.u32 v5, v6;
	[tilespmem:$0x3F90] =	vst v7  }
0xf0: {  	[tilespmem:$0x4010] =	vst v4  }
0xf1: {  	[tilespmem:s21], [sflag:$0x1] =	stream.indirect.gather [hbm4b:s4+s19], $0x80, s20, s19, $0xb8;
	[tilespmem:$0x6B00] =	vst v63  }
0xf2: {  	_ = 	snop  }
0xf3: {  	[tilespmem:s23], [sflag:$0x2] =	stream.indirect.gather [hbm4b:s4+s19], $0x80, s22, s19, $0xb8;
	[tilespmem:$0x6B00] =	vst v63  }
0xf4: {  	_ =	swait.ge [sflag:s16], $0x1000  }
0xf5: {  	[sflag:s16] =	ssyncset.done $0x0  }
0xf6: {  	[sflag:s16] =	ssyncadd.s32 $0xFFFFF000  }
0xf7: {  	v4 =	vld [tilespmem:$0x3C80];
	_ =	sdelay $0x2  }
0xf8: {  	v5 =	vld [tilespmem:$0x3C90];
	_ =	sdelay $0x1  }
0xf9: {  	(xrf0) =	vmax.scan.msk.f32 $0xffff, v4;
	_ =	sdelay $0x2  }
0xfa: {  	(xrf0) =	vmax.scan.msk.f32 $0xffff, v5;
	_ =	sdelay $0x2  }
0xfb: {  	v4, _, _ =	vpop (xrf0)  }
0xfc: {  	(v2sf) =	vpush v4, $0xF;
	_ =	sdelay $0x1  }
0xfd: {  	v4, _, _ =	vpop (xrf0)  }
0xfe: {  	(v2sf) =	vpush v4, $0xF;
	_ =	sdelay $0xb  }
0xff: {  	s6 =	spop (v2sf)  }
0x100: {  	p0 =	sgt.f32 s6, $-Inf;
	_ =	sdelay $0x1  }
0x101: {  	s2 =	spop (v2sf);
	s6 =	simm.s32 @!p0 $0xFF800000  }
0x102: {  	p0 =	sgt.f32 s2, s6  }
0x103: {  	s7 =	simm.s32 $0x10  }
0x104: {  	s7 =	simm.s32 @!p0 $0x0  }
0x105: {  	v4 =	vld [tilespmem:s7+$0x3C80];
	_ =	sdelay $0x3  }
0x106: {  	s6 =	smov.u32 @p0 s2  }
0x107: {  	vm1 =	veq.f32 v4, s6  }
0x108: {  	v4 =	vnsel vm1, $0x80000063, v2  }
0x109: {  	(xrf0) =	vmin.scan.msk.u32 $0xffff, v4;
	_ =	sdelay $0x5  }
0x10a: {  	v4, _, _ =	vpop (xrf0)  }
0x10b: {  	(v2sf) =	vpush v4, $0xF;
	_ =	sdelay $0xe  }
0x10c: {  	s11 =	spop (v2sf)  }
0x10d: {  	s2 =	sadd.s32 s11, s7  }
0x10e: {  	s8 =	sadd.s32 $0x80000000, s2  }
0x10f: {  	s2 =	sshll.u32 s8, $0x9  }
0x110: {  	s2 =	sshra.s32 s2, $0x2  }
0x111: {  	v4 =	vld [tilespmem:s2+$0x4080]  }
0x112: {  	v5 =	vld [tilespmem:s2+$0x4090];
	_ =	sdelay $0x3  }
0x113: {  	vm1 =	veq.f32 v4, s6;
	v4 =	vld [tilespmem:s2+$0x40A0]  }
0x114: {  	v6 =	vnsel vm1, $0x80000063, v2;
	vm1 =	veq.f32 v5, s6  }
0x115: {  	v5 =	vnsel vm1, $0x80000063, v2;
	(xrf0) =	vmin.scan.msk.u32 $0xffff, v6  }
0x116: {  	(xrf0) =	vmin.scan.msk.u32 $0xffff, v5  }
0x117: {  	v5 =	vld [tilespmem:s2+$0x40B0]  }
0x118: {  	vm1 =	veq.f32 v4, s6  }
0x119: {  	v4 =	vnsel vm1, $0x80000063, v2  }
0x11a: {  	(xrf0) =	vmin.scan.msk.u32 $0xffff, v4  }
0x11b: {  	v4 =	vld [tilespmem:s2+$0x40C0];
	v6, _, _ =	vpop (xrf0)  }
0x11c: {  	vm1 =	veq.f32 v5, s6;
	(v2sf) =	vpush v6, $0xF;
	v5, _, _ =	vpop (xrf0)  }
0x11d: {  	v6 =	vnsel vm1, $0x80000063, v2;
	(v2sf) =	vpush v5, $0xF  }
0x11e: {  	(xrf0) =	vmin.scan.msk.u32 $0xffff, v6  }
0x11f: {  	v5 =	vld [tilespmem:s2+$0x40D0]  }
0x120: {  	vm1 =	veq.f32 v4, s6;
	v4, _, _ =	vpop (xrf0)  }
0x121: {  	v6 =	vnsel vm1, $0x80000063, v2;
	(v2sf) =	vpush v4, $0xF  }
0x122: {  	(xrf0) =	vmin.scan.msk.u32 $0xffff, v6  }
0x123: {  	v4 =	vld [tilespmem:s2+$0x40E0]  }
0x124: {  	vm1 =	veq.f32 v5, s6;
	v5, _, _ =	vpop (xrf0)  }
0x125: {  	v6 =	vnsel vm1, $0x80000063, v2;
	(v2sf) =	vpush v5, $0xF  }
0x126: {  	(xrf0) =	vmin.scan.msk.u32 $0xffff, v6  }
0x127: {  	v5 =	vld [tilespmem:s2+$0x40F0]  }
0x128: {  	vm1 =	veq.f32 v4, s6;
	v6, _, _ =	vpop (xrf0)  }
0x129: {  	v4 =	vnsel vm1, $0x80000063, v2;
	(v2sf) =	vpush v6, $0xF  }
0x12a: {  	(xrf0) =	vmin.scan.msk.u32 $0xffff, v4  }
0x12b: {  	s12 =	spop (v2sf)  }
0x12c: {  	vm1 =	veq.f32 v5, s6;
	v4, _, _ =	vpop (xrf0);
	s9 =	spop (v2sf)  }
0x12d: {  	s7 =	sxor.u32 $0x80000000, s12;
	(v2sf) =	vpush v4, $0xF;
	v4 =	vnsel vm1, $0x80000063, v2;
	s9 =	sxor.u32 $0x80000000, s9  }
0x12e: {  	p6 =	sgt.s32 s7, $0x62;
	(xrf0) =	vmin.scan.msk.u32 $0xffff, v4;
	p1 =	slt.s32 s9, $0x63  }
0x12f: {  	p2 =	slt.s32 s7, $0x63;
	p0 =	por !p6, !p1  }
0x130: {  	s7 =	simm.s32 @!p2 $0x63;
	v4, _, _ =	vpop (xrf0);
	p0 =	por !p0, !p0;
	s10 =	spop (v2sf)  }
0x131: {  	s11 =	simm.s32 $0x0;
	(v2sf) =	vpush v4, $0xF;
	s7 =	smov.u32 @p0 s9;
	s9 =	sxor.u32 $0x80000000, s10  }
0x132: {  	v5 =	vmov s11;
	p2 =	seq.s32 s7, $0x63;
	p3 =	slt.s32 s9, $0x63  }
0x133: {  	v4 =	vmov s8;
	p1 =	por !p3, !p2  }
0x134: {  	s10 =	spop (v2sf);
	v6, _, _ =	vpop (xrf0);
	p1 =	por !p1, !p1  }
0x135: {  	s8 =	sxor.u32 $0x80000000, s10;
	(v2sf) =	vpush v6, $0xF;
	s7 =	smov.u32 @p1 s9  }
0x136: {  	v6 =	vmov s6;
	p3 =	slt.s32 s8, $0x63;
	p4 =	seq.s32 s7, $0x63  }
0x137: {  	[tilespmem:v5+s24+$0x0] =	vst.idx.msk $0x1, v6;
	p2 =	por !p3, !p4  }
0x138: {  	v6 =	vld.idx.msk [tilespmem:v4+s18+$0x0], $0xffff;
	s11 =	spop (v2sf);
	p2 =	por !p2, !p2  }
0x139: {  	s6 =	sxor.u32 $0x80000000, s11;
	s7 =	smov.u32 @p2 s8  }
0x13a: {  	p4 =	slt.s32 s6, $0x63;
	p5 =	seq.s32 s7, $0x63  }
0x13b: {  	p3 =	por !p4, !p5  }
0x13c: {  	s12 =	spop (v2sf);
	p3 =	por !p3, !p3  }
0x13d: {  	(v2sf) =	vpush v6, $0x0;
	s7 =	smov.u32 @p3 s6;
	s6 =	sxor.u32 $0x80000000, s12  }
0x13e: {  	p6 =	seq.s32 s7, $0x63;
	p5 =	slt.s32 s6, $0x63  }
0x13f: {  	p4 =	por !p5, !p6  }
0x140: {  	s9 =	spop (v2sf);
	p4 =	por !p4, !p4  }
0x141: {  	s7 =	smov.u32 @p4 s6;
	s6 =	sxor.u32 $0x80000000, s9  }
0x142: {  	s8 =	simm.s32 $0x10;
	p5 =	seq.s32 s7, $0x63;
	p6 =	slt.s32 s6, $0x63  }
0x143: {  	s8 =	simm.s32 @!p0 $0x0;
	p5 =	por !p6, !p5  }
0x144: {  	s8 =	simm.s32 @p1 $0x20;
	s10 =	spop (v2sf);
	p0 =	por !p5, !p5  }
0x145: {  	s8 =	simm.s32 @p2 $0x30;
	s7 =	smov.u32 @p0 s6;
	s6 =	sxor.u32 $0x80000000, s10  }
0x146: {  	s8 =	simm.s32 @p3 $0x40;
	p5 =	seq.s32 s7, $0x63;
	p6 =	slt.s32 s6, $0x63  }
0x147: {  	s8 =	simm.s32 @p4 $0x50;
	p1 =	por !p6, !p5  }
0x148: {  	s8 =	simm.s32 @p0 $0x60;
	p1 =	por !p1, !p1  }
0x149: {  	s7 =	smov.u32 @p1 s6;
	s8 =	simm.s32 @p1 $0x70  }
0x14a: {  	s6 =	sadd.s32 s7, s8  }
0x14b: {  	v6 =	vmov s6  }
0x14c: {  	v8 =	vshll.u32 v4, $0x7;
	s11 =	spop (v2sf);
	v7 =	vand.u32 $0xFFFFFF80, v6  }
0x14d: {  	s7 =	sshll.u32 s11, $0x7;
	v9 =	vand.u32 $0x7F, v6;
	v7 =	vadd.s32 v8, v7  }
0x14e: {  	s6 =	sadd.s32 s7, s6;
	v7 =	vor.u32 v9, v7  }
0x14f: {  	v62 =	vmov s6  }
0x150: {  	s12 =	rddreg [dreg:$0x2];
	[tilespmem:v5+s25+$0x0] =	vst.idx.msk $0x1, v62  }
0x151: {  	s8 =	rddreg [dreg:$0x3];
	[tilespmem:v5+s12+$0x0] =	vst.idx.msk $0x1, v4  }
0x152: {  	[tilespmem:v5+s8+$0x0] =	vst.idx.msk $0x1, v6  }
0x153: {  	[tilespmem:v7+s21+$0x0] =	vst.idx.msk $0x1, v1  }
0x154: {  	v5 =	vld [tilespmem:s2+$0x4080]  }
0x155: {  	v6 =	vld [tilespmem:s2+$0x4090]  }
0x156: {  	v7 =	vld [tilespmem:s2+$0x40A0]  }
0x157: {  	v8 =	vld [tilespmem:s2+$0x40B0]  }
0x158: {  	v63 =	vld [tilespmem:s2+$0x40C0]  }
0x159: {  	(xrf0) =	vmax.scan.msk.f32 $0xffff, v5  }
0x15a: {  	(xrf0) =	vmax.scan.msk.f32 $0xffff, v6  }
0x15b: {  	(xrf0) =	vmax.scan.msk.f32 $0xffff, v7  }
0x15c: {  	(xrf0) =	vmax.scan.msk.f32 $0xffff, v8  }
0x15d: {  	(xrf0) =	vmax.scan.msk.f32 $0xffff, v63;
	_ =	sdelay $0x1  }
0x15e: {  	v5, _, _ =	vpop (xrf0)  }
0x15f: {  	(v2sf) =	vpush v5, $0xF;
	v5, _, _ =	vpop (xrf0)  }
0x160: {  	(v2sf) =	vpush v5, $0xF;
	v5, _, _ =	vpop (xrf0)  }
0x161: {  	(v2sf) =	vpush v5, $0xF;
	v5, _, _ =	vpop (xrf0)  }
0x162: {  	(v2sf) =	vpush v5, $0xF;
	v5, _, _ =	vpop (xrf0)  }
0x163: {  	(v2sf) =	vpush v5, $0xF  }
0x164: {  	v5 =	vld [tilespmem:s2+$0x40D0]  }
0x165: {  	v6 =	vld [tilespmem:s2+$0x40E0]  }
0x166: {  	v7 =	vld [tilespmem:s2+$0x40F0];
	_ =	sdelay $0x2  }
0x167: {  	(xrf0) =	vmax.scan.msk.f32 $0xffff, v5  }
0x168: {  	(xrf0) =	vmax.scan.msk.f32 $0xffff, v6  }
0x169: {  	(xrf0) =	vmax.scan.msk.f32 $0xffff, v7;
	_ =	sdelay $0x2  }
0x16a: {  	s9 =	spop (v2sf)  }
0x16b: {  	v5, _, _ =	vpop (xrf0);
	s10 =	spop (v2sf)  }
0x16c: {  	(v2sf) =	vpush v5, $0xF;
	v5, _, _ =	vpop (xrf0);
	s2 =	smax.f32 s9, s10;
	s11 =	spop (v2sf)  }
0x16d: {  	(v2sf) =	vpush v5, $0xF;
	v5, _, _ =	vpop (xrf0);
	s6 =	smax.f32 s2, s11;
	s12 =	spop (v2sf)  }
0x16e: {  	s2 =	simm.s32 $0x1;
	(v2sf) =	vpush v5, $0xF;
	s6 =	smax.f32 s6, s12;
	s7 =	spop (v2sf)  }
.LBB2_7:
0x16f: {  	_ =	sdelay $0xb  }
0x170: {  	s6 =	smax.f32 s6, s7;
	s12 =	spop (v2sf)  }
0x171: {  	s6 =	smax.f32 s6, s12;
	s9 =	spop (v2sf)  }
0x172: {  	s6 =	smax.f32 s6, s9;
	s10 =	spop (v2sf)  }
0x173: {  	s6 =	smax.f32 s6, s10  }
0x174: {  	v5 =	vmov s6  }
0x175: {  	[tilespmem:v4+s17+$0x0] =	vst.idx.msk $0x1, v5  }
0x176: {  	v4 =	vld [tilespmem:$0x3C80];
	_ =	sdelay $0x2  }
0x177: {  	v5 =	vld [tilespmem:$0x3C90];
	_ =	sdelay $0x1  }
0x178: {  	(xrf0) =	vmax.scan.msk.f32 $0xffff, v4;
	_ =	sdelay $0x2  }
0x179: {  	(xrf0) =	vmax.scan.msk.f32 $0xffff, v5;
	_ =	sdelay $0x2  }
0x17a: {  	v4, _, _ =	vpop (xrf0)  }
0x17b: {  	(v2sf) =	vpush v4, $0xF;
	_ =	sdelay $0x1  }
0x17c: {  	v4, _, _ =	vpop (xrf0)  }
0x17d: {  	(v2sf) =	vpush v4, $0xF;
	_ =	sdelay $0x8  }
0x17e: {  	p0 =	sne.s32 s2, $0x1F  }
0x17f: {  	s8 =	simm.s32 @!p0 $0x0  }
0x180: {  	s8 =	simm.s32 @p0 $0x1  }
0x181: {  	[smem:$0x7FD] =	sst s8;
	s8 =	spop (v2sf)  }
0x182: {  	p1 =	sgt.f32 s8, $-Inf;
	_ =	sdelay $0x1  }
0x183: {  	s6 =	spop (v2sf);
	s8 =	simm.s32 @!p1 $0xFF800000  }
0x184: {  	p1 =	sgt.f32 s6, s8  }
0x185: {  	s9 =	simm.s32 $0x10  }
0x186: {  	s9 =	simm.s32 @!p1 $0x0  }
0x187: {  	v4 =	vld [tilespmem:s9+$0x3C80];
	_ =	sdelay $0x3  }
0x188: {  	s8 =	smov.u32 @p1 s6  }
0x189: {  	vm1 =	veq.f32 v4, s8  }
0x18a: {  	v4 =	vnsel vm1, $0x80000063, v2  }
0x18b: {  	(xrf0) =	vmin.scan.msk.u32 $0xffff, v4;
	_ =	sdelay $0x5  }
0x18c: {  	v4, _, _ =	vpop (xrf0)  }
0x18d: {  	(v2sf) =	vpush v4, $0xF;
	_ =	sdelay $0xe  }
0x18e: {  	s11 =	spop (v2sf)  }
0x18f: {  	s6 =	sadd.s32 s11, s9  }
0x190: {  	s10 =	sadd.s32 $0x80000000, s6  }
0x191: {  	s6 =	sshll.u32 s10, $0x9  }
0x192: {  	s6 =	sshra.s32 s6, $0x2  }
0x193: {  	v4 =	vld [tilespmem:s6+$0x4080]  }
0x194: {  	v5 =	vld [tilespmem:s6+$0x4090];
	_ =	sdelay $0x3  }
0x195: {  	vm1 =	veq.f32 v4, s8;
	v4 =	vld [tilespmem:s6+$0x40A0]  }
0x196: {  	v6 =	vnsel vm1, $0x80000063, v2;
	vm1 =	veq.f32 v5, s8  }
0x197: {  	v5 =	vnsel vm1, $0x80000063, v2;
	(xrf0) =	vmin.scan.msk.u32 $0xffff, v6  }
0x198: {  	(xrf0) =	vmin.scan.msk.u32 $0xffff, v5  }
0x199: {  	v6 =	vld [tilespmem:s6+$0x40B0]  }
0x19a: {  	vm1 =	veq.f32 v4, s8  }
0x19b: {  	v7 =	vnsel vm1, $0x80000063, v2  }
0x19c: {  	(xrf0) =	vmin.scan.msk.u32 $0xffff, v7  }
0x19d: {  	v5 =	vld [tilespmem:s6+$0x40C0];
	v4, _, _ =	vpop (xrf0)  }
0x19e: {  	vm1 =	veq.f32 v6, s8;
	(v2sf) =	vpush v4, $0xF;
	v4, _, _ =	vpop (xrf0)  }
0x19f: {  	v6 =	vnsel vm1, $0x80000063, v2;
	(v2sf) =	vpush v4, $0xF  }
0x1a0: {  	(xrf0) =	vmin.scan.msk.u32 $0xffff, v6;
	v4 =	vld [tilespmem:s6+$0x40D0];
	_ =	sdelay $0x1  }
0x1a1: {  	vm1 =	veq.f32 v5, s8;
	v6, _, _ =	vpop (xrf0)  }
0x1a2: {  	v5 =	vnsel vm1, $0x80000063, v2;
	(v2sf) =	vpush v6, $0xF  }
0x1a3: {  	(xrf0) =	vmin.scan.msk.u32 $0xffff, v5  }
0x1a4: {  	vm1 =	veq.f32 v4, s8;
	v4 =	vld [tilespmem:s6+$0x40E0]  }
0x1a5: {  	v5, _, _ =	vpop (xrf0)  }
0x1a6: {  	v6 =	vnsel vm1, $0x80000063, v2;
	(v2sf) =	vpush v5, $0xF  }
0x1a7: {  	(xrf0) =	vmin.scan.msk.u32 $0xffff, v6  }
0x1a8: {  	v5 =	vld [tilespmem:s6+$0x40F0]  }
0x1a9: {  	v6, _, _ =	vpop (xrf0);
	vm1 =	veq.f32 v4, s8  }
0x1aa: {  	(v2sf) =	vpush v6, $0xF;
	v6 =	vnsel vm1, $0x80000063, v2  }
0x1ab: {  	(xrf0) =	vmin.scan.msk.u32 $0xffff, v6  }
0x1ac: {  	s12 =	spop (v2sf)  }
0x1ad: {  	vm1 =	veq.f32 v5, s8;
	v4, _, _ =	vpop (xrf0);
	s11 =	spop (v2sf)  }
0x1ae: {  	s7 =	smov.u32 s2;
	s9 =	sxor.u32 $0x80000000, s12;
	(v2sf) =	vpush v4, $0xF;
	v4 =	vnsel vm1, $0x80000063, v2;
	s11 =	sxor.u32 $0x80000000, s11  }
0x1af: {  	p1 =	slt.s32 s9, $0x63;
	p2 =	sgt.s32 s9, $0x62;
	(xrf0) =	vmin.scan.msk.u32 $0xffff, v4;
	p3 =	slt.s32 s11, $0x63  }
0x1b0: {  	v5 =	vmov s7;
	s9 =	simm.s32 @!p1 $0x63;
	p1 =	por !p2, !p3  }
0x1b1: {  	v4 =	vmov s10;
	v6, _, _ =	vpop (xrf0);
	p1 =	por !p1, !p1;
	s10 =	spop (v2sf)  }
0x1b2: {  	(v2sf) =	vpush v6, $0xF;
	s9 =	smov.u32 @p1 s11;
	s7 =	sxor.u32 $0x80000000, s10  }
0x1b3: {  	p4 =	seq.s32 s9, $0x63;
	p3 =	slt.s32 s7, $0x63  }
0x1b4: {  	v6 =	vmov s8;
	p2 =	por !p3, !p4  }
0x1b5: {  	[tilespmem:v5+s24+$0x0] =	vst.idx.msk $0x1, v6;
	s11 =	spop (v2sf);
	v7, _, _ =	vpop (xrf0);
	p2 =	por !p2, !p2  }
0x1b6: {  	v6 =	vld.idx.msk [tilespmem:v4+s18+$0x0], $0xffff;
	(v2sf) =	vpush v7, $0xF;
	s9 =	smov.u32 @p2 s7;
	s7 =	sxor.u32 $0x80000000, s11  }
0x1b7: {  	p5 =	seq.s32 s9, $0x63;
	p4 =	slt.s32 s7, $0x63  }
0x1b8: {  	p3 =	por !p4, !p5  }
0x1b9: {  	s12 =	spop (v2sf);
	p3 =	por !p3, !p3  }
0x1ba: {  	s8 =	sxor.u32 $0x80000000, s12;
	s9 =	smov.u32 @p3 s7  }
0x1bb: {  	(v2sf) =	vpush v6, $0x0;
	p5 =	slt.s32 s8, $0x63;
	p6 =	seq.s32 s9, $0x63  }
0x1bc: {  	p4 =	por !p5, !p6  }
0x1bd: {  	s10 =	spop (v2sf);
	p4 =	por !p4, !p4  }
0x1be: {  	s7 =	sxor.u32 $0x80000000, s10;
	s9 =	smov.u32 @p4 s8  }
0x1bf: {  	p6 =	slt.s32 s7, $0x63;
	p0 =	seq.s32 s9, $0x63  }
0x1c0: {  	p5 =	por !p6, !p0  }
0x1c1: {  	s11 =	spop (v2sf);
	p5 =	por !p5, !p5  }
0x1c2: {  	s9 =	smov.u32 @p5 s7;
	s7 =	sxor.u32 $0x80000000, s11  }
0x1c3: {  	s8 =	simm.s32 $0x10;
	p6 =	seq.s32 s9, $0x63;
	p0 =	slt.s32 s7, $0x63  }
0x1c4: {  	s8 =	simm.s32 @!p1 $0x0;
	p0 =	por !p0, !p6  }
0x1c5: {  	s8 =	simm.s32 @p2 $0x20;
	s12 =	spop (v2sf);
	p1 =	por !p0, !p0  }
0x1c6: {  	s8 =	simm.s32 @p3 $0x30;
	s9 =	smov.u32 @p1 s7;
	s7 =	sxor.u32 $0x80000000, s12  }
0x1c7: {  	s8 =	simm.s32 @p4 $0x40;
	p3 =	seq.s32 s9, $0x63;
	p6 =	slt.s32 s7, $0x63  }
0x1c8: {  	s8 =	simm.s32 @p5 $0x50;
	p0 =	por !p6, !p3  }
0x1c9: {  	s8 =	simm.s32 @p1 $0x60;
	p0 =	por !p0, !p0  }
0x1ca: {  	s10 =	spop (v2sf);
	s9 =	smov.u32 @p0 s7;
	s8 =	simm.s32 @p0 $0x70  }
0x1cb: {  	s7 =	sshll.u32 s10, $0x7;
	s8 =	sadd.s32 s9, s8  }
0x1cc: {  	s7 =	sadd.s32 s7, s8;
	v6 =	vmov s8  }
0x1cd: {  	v9 =	vshll.u32 v4, $0x7;
	v7 =	vmov s7;
	v8 =	vand.u32 $0xFFFFFF80, v6  }
0x1ce: {  	[tilespmem:v5+s25+$0x0] =	vst.idx.msk $0x1, v7;
	v7 =	vand.u32 $0x7F, v6;
	v8 =	vadd.s32 v9, v8  }
0x1cf: {  	v7 =	vor.u32 v7, v8;
	_ =	sdelay $0x1  }
0x1d0: {  	s11 =	rddreg [dreg:$0x2]  }
0x1d1: {  	s12 =	rddreg [dreg:$0x3];
	[tilespmem:v5+s11+$0x0] =	vst.idx.msk $0x1, v4  }
0x1d2: {  	[tilespmem:v5+s12+$0x0] =	vst.idx.msk $0x1, v6  }
0x1d3: {  	[tilespmem:v7+s21+$0x0] =	vst.idx.msk $0x1, v1  }
0x1d4: {  	v5 =	vld [tilespmem:s6+$0x4080]  }
0x1d5: {  	v6 =	vld [tilespmem:s6+$0x4090]  }
0x1d6: {  	v7 =	vld [tilespmem:s6+$0x40A0]  }
0x1d7: {  	v62 =	vld [tilespmem:s6+$0x40B0]  }
0x1d8: {  	v63 =	vld [tilespmem:s6+$0x40C0]  }
0x1d9: {  	(xrf0) =	vmax.scan.msk.f32 $0xffff, v5  }
0x1da: {  	v10 =	vld [tilespmem:s6+$0x40D0];
	(xrf0) =	vmax.scan.msk.f32 $0xffff, v6  }
0x1db: {  	v5 =	vld [tilespmem:s6+$0x40E0];
	(xrf0) =	vmax.scan.msk.f32 $0xffff, v7  }
0x1dc: {  	(xrf0) =	vmax.scan.msk.f32 $0xffff, v62  }
0x1dd: {  	(xrf0) =	vmax.scan.msk.f32 $0xffff, v63;
	_ =	sdelay $0x1  }
0x1de: {  	(xrf0) =	vmax.scan.msk.f32 $0xffff, v10;
	v7, _, _ =	vpop (xrf0)  }
0x1df: {  	(xrf0) =	vmax.scan.msk.f32 $0xffff, v5;
	(v2sf) =	vpush v7, $0xF;
	v5, _, _ =	vpop (xrf0)  }
0x1e0: {  	(v2sf) =	vpush v5, $0xF;
	v5, _, _ =	vpop (xrf0)  }
0x1e1: {  	(v2sf) =	vpush v5, $0xF;
	v5, _, _ =	vpop (xrf0)  }
0x1e2: {  	(v2sf) =	vpush v5, $0xF;
	v5, _, _ =	vpop (xrf0)  }
0x1e3: {  	(v2sf) =	vpush v5, $0xF;
	_ =	sdelay $0x2  }
0x1e4: {  	v6 =	vld [tilespmem:s6+$0x40F0];
	_ =	sdelay $0x3  }
0x1e5: {  	s12 =	sld [smem:$0x7FD]  }
0x1e6: {  	(xrf0) =	vmax.scan.msk.f32 $0xffff, v6;
	_ =	sdelay $0x1  }
0x1e7: {  	p0 =	seq.s32 s12, $0x1  }
.Ltmp2:
0x1e8: {  	s8 =	spop (v2sf);
	(pc) =	sbr.rel @p0 .LBB2_7-.Ltmp2, $4  }
0x1e9: {  	v5, _, _ =	vpop (xrf0);
	s9 =	spop (v2sf)  }
0x1ea: {  	(v2sf) =	vpush v5, $0xF;
	v5, _, _ =	vpop (xrf0);
	s6 =	smax.f32 s8, s9;
	s10 =	spop (v2sf)  }
0x1eb: {  	(v2sf) =	vpush v5, $0xF;
	v5, _, _ =	vpop (xrf0);
	s6 =	smax.f32 s6, s10;
	s11 =	spop (v2sf)  }
0x1ec: {  	s2 =	sadd.s32 $0x1, s2;
	(v2sf) =	vpush v5, $0xF;
	s6 =	smax.f32 s6, s11;
	s7 =	spop (v2sf)  }
0x1ed: {  	_ =	sdelay $0xb  }
0x1ee: {  	s2 =	smax.f32 s6, s7;
	s12 =	spop (v2sf)  }
0x1ef: {  	s2 =	smax.f32 s2, s12;
	s7 =	spop (v2sf)  }
0x1f0: {  	s2 =	smax.f32 s2, s7;
	s8 =	spop (v2sf)  }
0x1f1: {  	s2 =	smax.f32 s2, s8  }
0x1f2: {  	v5 =	vmov s2  }
0x1f3: {  	[tilespmem:v4+s17+$0x0] =	vst.idx.msk $0x1, v5  }
0x1f4: {  	_ =	swait.ge [sflag:s26], $0x1000  }
0x1f5: {  	[sflag:s26] =	ssyncset.done $0x0  }
0x1f6: {  	[sflag:s26] =	ssyncadd.s32 $0xFFFFF000  }
0x1f7: {  	v23 =	vld [tilespmem:$0x3E80]  }
0x1f8: {  	v24 =	vld [tilespmem:$0x3F00]  }
0x1f9: {  	v6 =	vld [tilespmem:$0x3E90]  }
0x1fa: {  	v7 =	vld [tilespmem:$0x3F10];
	_ =	sdelay $0x3  }
0x1fb: {  	v8 =	vand.u32 $0xFFFFFF80, v24;
	v5 =	vand.u32 $0x7F, v24;
	v4 =	vshll.u32 v23, $0x7  }
0x1fc: {  	v25 =	vand.u32 $0xFFFFFF80, v7;
	v6 =	vshll.u32 v6, $0x7;
	v4 =	vadd.s32 v4, v8  }
0x1fd: {  	v26 =	vand.u32 $0x7F, v7;
	v6 =	vadd.s32 v6, v25;
	v4 =	vor.u32 v5, v4  }
0x1fe: {  	v5 =	vor.u32 v26, v6;
	_ =	sdelay $0x1  }
0x1ff: {  	v27 =	vld [tilespmem:$0x3D80]  }
0x200: {  	v28 =	vld [tilespmem:$0x3D90]  }
0x201: {  	v4 =	vld.idx.msk [tilespmem:v4+s23+$0x0], $0xffff  }
0x202: {  	v5 =	vld.idx.msk [tilespmem:v5+s23+$0x0], $0xffff;
	_ =	sdelay $0x3  }
0x203: {  	v6 =	vadd.f32 v27, v4  }
0x204: {  	v5 =	vadd.f32 v28, v5  }
0x205: {  	(xrf0) =	vmax.scan.msk.f32 $0xffff, v6  }
0x206: {  	(xrf0) =	vmax.scan.msk.f32 $0xffff, v5;
	_ =	sdelay $0x4  }
0x207: {  	v29, _, _ =	vpop (xrf0)  }
0x208: {  	(v2sf) =	vpush v29, $0xF;
	v30, _, _ =	vpop (xrf0)  }
0x209: {  	(v2sf) =	vpush v30, $0xF;
	_ =	sdelay $0xd  }
0x20a: {  	s9 =	spop (v2sf)  }
0x20b: {  	s10 =	spop (v2sf)  }
0x20c: {  	s11 =	smax.f32 s9, s10  }
0x20d: {  	vm1 =	veq.f32 v6, s11  }
0x20e: {  	v31 =	vnsel vm1, $0x80000063, v2;
	vm1 =	veq.f32 v5, s11  }
0x20f: {  	(xrf0) =	vmin.scan.msk.u32 $0xffff, v31;
	v32 =	vnsel vm1, $0x80000063, v2  }
0x210: {  	(xrf0) =	vmin.scan.msk.u32 $0xffff, v32;
	_ =	sdelay $0x4  }
0x211: {  	v33, _, _ =	vpop (xrf0)  }
0x212: {  	(v2sf) =	vpush v33, $0xF;
	v34, _, _ =	vpop (xrf0)  }
0x213: {  	(v2sf) =	vpush v34, $0xF;
	_ =	sdelay $0xd  }
0x214: {  	s12 =	spop (v2sf)  }
0x215: {  	p0 =	sge.f32 s9, s10;
	s8 =	spop (v2sf)  }
0x216: {  	s6 =	sxor.u32 $0x80000000, s12;
	s7 =	sadd.s32 $0x80000010, s8  }
0x217: {  	vm3 =	vmmov vm0;
	s7 =	smov.u32 @p0 s6  }
0x218: {  	vm1 =	vmmov vm0;
	s2 =	sxor.u32 $0x80000000, s8;
	v36 =	vmov s6;
	v35 =	vmov s7  }
0x219: {  	p1 =	por !p0, !p0;
	vm1 =	vmneg @p0 vm1;
	vm2 =	veq.s32 v36, v0;
	v37 =	vmov s2  }
0x21a: {  	vm3 =	vmneg @p1 vm3;
	vm1 =	vmand vm1, vm2;
	vm2 =	veq.s32 v37, v0  }
0x21b: {  	v6 =	vsel vm1, $0xFF800000, v6;
	vm1 =	vmand vm3, vm2  }
0x21c: {  	v5 =	vsel vm1, $0xFF800000, v5;
	(xrf0) =	vmax.scan.msk.f32 $0xffff, v6  }
0x21d: {  	(xrf0) =	vmax.scan.msk.f32 $0xffff, v5;
	v38 =	vld.idx.msk [tilespmem:v35+s24+$0x0], $0xffff;
	_ =	sdelay $0x4  }
0x21e: {  	v39, _, _ =	vpop (xrf0);
	(v2sf) =	vpush v38, $0x0  }
0x21f: {  	v40, _, _ =	vpop (xrf0);
	(v2sf) =	vpush v39, $0xF  }
0x220: {  	(v2sf) =	vpush v40, $0xF;
	_ =	sdelay $0xc  }
0x221: {  	s2 =	spop (v2sf)  }
0x222: {  	s9 =	spop (v2sf)  }
0x223: {  	s10 =	spop (v2sf)  }
0x224: {  	s8 =	smax.f32 s9, s10  }
0x225: {  	vm1 =	veq.f32 v6, s8  }
0x226: {  	v41 =	vnsel vm1, $0x80000063, v2;
	vm1 =	veq.f32 v5, s8  }
0x227: {  	(xrf0) =	vmin.scan.msk.u32 $0xffff, v41;
	v42 =	vnsel vm1, $0x80000063, v2  }
0x228: {  	(xrf0) =	vmin.scan.msk.u32 $0xffff, v42;
	_ =	sdelay $0x4  }
0x229: {  	v43, _, _ =	vpop (xrf0)  }
0x22a: {  	(v2sf) =	vpush v43, $0xF;
	v44, _, _ =	vpop (xrf0)  }
0x22b: {  	(v2sf) =	vpush v44, $0xF;
	_ =	sdelay $0xd  }
0x22c: {  	s11 =	spop (v2sf)  }
0x22d: {  	p0 =	sge.f32 s9, s10;
	s12 =	spop (v2sf)  }
0x22e: {  	s7 =	sxor.u32 $0x80000000, s11;
	s8 =	sadd.s32 $0x80000010, s12  }
0x22f: {  	vm3 =	vmmov vm0;
	s8 =	smov.u32 @p0 s7  }
0x230: {  	vm1 =	vmmov vm0;
	s6 =	sxor.u32 $0x80000000, s12;
	v46 =	vmov s7;
	v45 =	vmov s8  }
0x231: {  	p1 =	por !p0, !p0;
	vm1 =	vmneg @p0 vm1;
	vm2 =	veq.s32 v46, v0;
	v47 =	vmov s6  }
0x232: {  	vm3 =	vmneg @p1 vm3;
	vm1 =	vmand vm1, vm2;
	vm2 =	veq.s32 v47, v0  }
0x233: {  	v6 =	vsel vm1, $0xFF800000, v6;
	vm1 =	vmand vm3, vm2  }
0x234: {  	v5 =	vsel vm1, $0xFF800000, v5;
	(xrf0) =	vmax.scan.msk.f32 $0xffff, v6  }
0x235: {  	(xrf0) =	vmax.scan.msk.f32 $0xffff, v5;
	v7 =	vld.idx.msk [tilespmem:v45+s24+$0x0], $0xffff;
	_ =	sdelay $0x4  }
0x236: {  	v48, _, _ =	vpop (xrf0);
	(v2sf) =	vpush v7, $0x0  }
0x237: {  	v49, _, _ =	vpop (xrf0);
	(v2sf) =	vpush v48, $0xF  }
0x238: {  	(v2sf) =	vpush v49, $0xF;
	_ =	sdelay $0xc  }
0x239: {  	s6 =	spop (v2sf)  }
0x23a: {  	s8 =	spop (v2sf)  }
0x23b: {  	s10 =	spop (v2sf)  }
0x23c: {  	s9 =	smax.f32 s8, s10  }
0x23d: {  	vm1 =	veq.f32 v6, s9  }
0x23e: {  	v50 =	vnsel vm1, $0x80000063, v2;
	vm1 =	veq.f32 v5, s9  }
0x23f: {  	(xrf0) =	vmin.scan.msk.u32 $0xffff, v50;
	v51 =	vnsel vm1, $0x80000063, v2  }
0x240: {  	(xrf0) =	vmin.scan.msk.u32 $0xffff, v51;
	_ =	sdelay $0x4  }
0x241: {  	v52, _, _ =	vpop (xrf0)  }
0x242: {  	(v2sf) =	vpush v52, $0xF;
	v53, _, _ =	vpop (xrf0)  }
0x243: {  	(v2sf) =	vpush v53, $0xF;
	_ =	sdelay $0xd  }
0x244: {  	s11 =	spop (v2sf)  }
0x245: {  	p0 =	sge.f32 s8, s10;
	s12 =	spop (v2sf)  }
0x246: {  	s8 =	sxor.u32 $0x80000000, s11;
	s9 =	sadd.s32 $0x80000010, s12  }
0x247: {  	vm3 =	vmmov vm0;
	s9 =	smov.u32 @p0 s8  }
0x248: {  	vm1 =	vmmov vm0;
	s7 =	sxor.u32 $0x80000000, s12;
	v55 =	vmov s8;
	v54 =	vmov s9  }
0x249: {  	p1 =	por !p0, !p0;
	vm1 =	vmneg @p0 vm1;
	vm2 =	veq.s32 v55, v0;
	v56 =	vmov s7  }
0x24a: {  	vm3 =	vmneg @p1 vm3;
	vm1 =	vmand vm1, vm2;
	vm2 =	veq.s32 v56, v0  }
0x24b: {  	v6 =	vsel vm1, $0xFF800000, v6;
	vm1 =	vmand vm3, vm2  }
0x24c: {  	v5 =	vsel vm1, $0xFF800000, v5;
	(xrf0) =	vmax.scan.msk.f32 $0xffff, v6  }
0x24d: {  	(xrf0) =	vmax.scan.msk.f32 $0xffff, v5;
	v7 =	vld.idx.msk [tilespmem:v54+s24+$0x0], $0xffff;
	_ =	sdelay $0x4  }
0x24e: {  	v57, _, _ =	vpop (xrf0);
	(v2sf) =	vpush v7, $0x0  }
0x24f: {  	v58, _, _ =	vpop (xrf0);
	(v2sf) =	vpush v57, $0xF  }
0x250: {  	(v2sf) =	vpush v58, $0xF;
	_ =	sdelay $0xc  }
0x251: {  	s7 =	spop (v2sf)  }
0x252: {  	s9 =	spop (v2sf)  }
0x253: {  	s11 =	spop (v2sf)  }
0x254: {  	s10 =	smax.f32 s9, s11  }
0x255: {  	vm1 =	veq.f32 v6, s10  }
0x256: {  	v6 =	vnsel vm1, $0x80000063, v2;
	vm1 =	veq.f32 v5, s10  }
0x257: {  	(xrf0) =	vmin.scan.msk.u32 $0xffff, v6;
	v5 =	vnsel vm1, $0x80000063, v2  }
0x258: {  	(xrf0) =	vmin.scan.msk.u32 $0xffff, v5;
	_ =	sdelay $0x4  }
0x259: {  	v59, _, _ =	vpop (xrf0)  }
0x25a: {  	(v2sf) =	vpush v59, $0xF;
	v60, _, _ =	vpop (xrf0)  }
0x25b: {  	(v2sf) =	vpush v60, $0xF;
	_ =	sdelay $0xd  }
0x25c: {  	s12 =	spop (v2sf)  }
0x25d: {  	p0 =	sge.f32 s9, s11;
	s11 =	spop (v2sf)  }
0x25e: {  	s9 =	sxor.u32 $0x80000000, s12;
	s8 =	sadd.s32 $0x80000010, s11  }
0x25f: {  	s8 =	smov.u32 @p0 s9  }
0x260: {  	v61 =	vmov s8;
	_ =	sdelay $0x4  }
0x261: {  	v5 =	vld.idx.msk [tilespmem:v61+s24+$0x0], $0xffff  }
0x262: {  	v4 =	vld.idx.msk [tilespmem:v35+s25+$0x0], $0xffff;
	_ =	sdelay $0x3  }
0x263: {  	(v2sf) =	vpush v5, $0x0  }
0x264: {  	(v2sf) =	vpush v4, $0x0;
	_ =	sdelay $0xd  }
0x265: {  	s8 =	spop (v2sf)  }
0x266: {  	s9 =	spop (v2sf)  }
0x267: {  	s12 =	sshra.s32 s9, $0x1F  }
0x268: {  	s10 =	sshrl.u32 s12, $0x19  }
0x269: {  	s10 =	sadd.s32 s10, s9  }
0x26a: {  	s11 =	sand.u32 $0xFFFFFF80, s10  }
0x26b: {  	v3 =	vbroadcast v3, $0x0;
	p5 =	slt.s32 s9, $0x1;
	p6 =	sne.s32 s9, s11  }
0x26c: {  	p0 =	por !p5, !p6  }
0x26d: {  	s11 =	simm.s32 $0x1;
	p0 =	por !p0, !p0  }
0x26e: {  	s10 =	sshra.s32 s10, $0x7;
	s11 =	simm.s32 @!p0 $0x0  }
0x26f: {  	s10 =	ssub.s32 s10, s11  }
0x270: {  	s9 =	sand.u32 $0x7F, s9;
	v62 =	vmov s10  }
0x271: {  	v63 =	vmov s9;
	[tilespmem:v3+s28+$0x0] =	vst.idx.msk $0x1, v62  }
0x272: {  	[tilespmem:v3+s29+$0x0] =	vst.idx.msk $0x1, v63  }
0x273: {  	v3 =	vld [tilespmem:s0+$0x6080];
	_ =	sdelay $0x4  }
0x274: {  	(v2sf) =	vpush v3, $0x0;
	_ =	sdelay $0x4  }
0x275: {  	s11 =	sadd.f32 $0.0e+00, s2;
	_ =	sdelay $0x1  }
0x276: {  	s0 =	sadd.f32 s6, s11;
	_ =	sdelay $0x1  }
0x277: {  	s0 =	sadd.f32 s7, s0;
	_ =	sdelay $0x1  }
0x278: {  	s0 =	sadd.f32 s8, s0  }
0x279: {  	s1 =	sadd.s32 $0x1, s1  }
0x27a: {  	p0 =	sne.s32 s1, $0x8;
	s0 =	smul.f32 $1.428571470e+02, s0  }
.Ltmp3:
0x27b: {  	_ = 	snop;
	(pc) =	sbr.rel @p0 .LBB2_2-.Ltmp3, $4  }
0x27c: {  	s12 =	spop (v2sf)  }
0x27d: {  	s0 =	sadd.f32 s0, s30;
	s2 =	smul.f32 $-4.000000000e+00, s12  }
0x27e: {  	_ = 	snop  }
0x27f: {  	s30 =	sadd.f32 s2, s0  }
0x280: {  	s0 =	simm.s32 $0x0  }
0x281: {  	s1 =	rddreg [dreg:$0x0];
	s2 =	simm.s32 $0x8;
	v4 =	vmov s0  }
0x282: {  	[tilespmem:s31], [sflag:$0x1] =	stream.indirect.gather [hbm4b:s1+s2], $0x80, s28, s2, $0xb8;
	[tilespmem:$0x6B00] =	vst v63  }
0x283: {  	s8 =	simm.s32 $0x1;
	_ =	swait.ge [sflag:s16], $0x400  }
0x284: {  	v5 =	vmov s8;
	[sflag:s16] =	ssyncset.done $0x0  }
0x285: {  	[sflag:s16] =	ssyncadd.s32 $0xFFFFFC00  }
0x286: {  	v3 =	vld.idx.msk [tilespmem:v4+s29+$0x0], $0xffff;
	_ =	sdelay $0x2  }
0x287: {  	v7 =	vld.idx.msk [tilespmem:v5+s29+$0x0], $0xffff;
	_ =	sdelay $0x1  }
0x288: {  	v9 =	vshll.u32 v4, $0x7;
	v8 =	vand.u32 $0xFFFFFF80, v3  }
0x289: {  	v3 =	vand.u32 $0x7F, v3;
	v8 =	vadd.s32 v9, v8  }
0x28a: {  	v8 =	vor.u32 v3, v8  }
0x28b: {  	s9 =	simm.s32 $0x2;
	v11 =	vshll.u32 v5, $0x7;
	v10 =	vand.u32 $0xFFFFFF80, v7  }
0x28c: {  	v6 =	vmov s9;
	v7 =	vand.u32 $0x7F, v7;
	v10 =	vadd.s32 v11, v10  }
0x28d: {  	v7 =	vor.u32 v7, v10  }
0x28e: {  	v10 =	vld.idx.msk [tilespmem:v4+s14+$0x0], $0xffff  }
0x28f: {  	v8 =	vld.idx.msk [tilespmem:v8+s31+$0x0], $0xffff  }
0x290: {  	v12 =	vld.idx.msk [tilespmem:v5+s14+$0x0], $0xffff  }
0x291: {  	s10 =	simm.s32 $0x3;
	v9 =	vld.idx.msk [tilespmem:v6+s29+$0x0], $0xffff  }
0x292: {  	v3 =	vmov s10;
	v7 =	vld.idx.msk [tilespmem:v7+s31+$0x0], $0xffff  }
0x293: {  	(v2sf) =	vpush v10, $0x0  }
0x294: {  	(v2sf) =	vpush v8, $0x0;
	_ =	sdelay $0x1  }
0x295: {  	v11 =	vshll.u32 v6, $0x7;
	v4 =	vand.u32 $0xFFFFFF80, v9;
	(v2sf) =	vpush v12, $0x0  }
0x296: {  	v9 =	vand.u32 $0x7F, v9;
	v4 =	vadd.s32 v11, v4;
	v11 =	vld.idx.msk [tilespmem:v3+s29+$0x0], $0xffff;
	(v2sf) =	vpush v7, $0x0  }
0x297: {  	s11 =	simm.s32 $0x4;
	v9 =	vor.u32 v9, v4  }
0x298: {  	v4 =	vmov s11;
	_ =	sdelay $0x2  }
0x299: {  	v5 =	vld.idx.msk [tilespmem:v6+s14+$0x0], $0xffff;
	v10 =	vshll.u32 v3, $0x7;
	v8 =	vand.u32 $0xFFFFFF80, v11  }
0x29a: {  	v11 =	vand.u32 $0x7F, v11;
	v6 =	vld.idx.msk [tilespmem:v9+s31+$0x0], $0xffff;
	v8 =	vadd.s32 v10, v8  }
0x29b: {  	s12 =	simm.s32 $0x5;
	v9 =	vld.idx.msk [tilespmem:v4+s29+$0x0], $0xffff;
	v8 =	vor.u32 v11, v8  }
0x29c: {  	s1 =	simm.s32 $0x6;
	v7 =	vmov s12  }
.LBB2_10:
0x29d: {  	p0 =	sne.s32 s1, $0x7  }
0x29e: {  	(v2sf) =	vpush v5, $0x0  }
.Ltmp4:
0x29f: {  	v5 =	vld.idx.msk [tilespmem:v3+s14+$0x0], $0xffff;
	(v2sf) =	vpush v6, $0x0;
	s2 =	spop (v2sf);
	v3 =	vmov v4;
	v4 =	vmov v7;
	(pc) =	sbr.rel @p0 .LBB2_10-.Ltmp4, $4  }
0x2a0: {  	v10 =	vand.u32 $0xFFFFFF80, v9;
	v11 =	vshll.u32 v3, $0x7;
	v6 =	vld.idx.msk [tilespmem:v8+s31+$0x0], $0xffff;
	s6 =	spop (v2sf)  }
0x2a1: {  	v8 =	vand.u32 $0x7F, v9;
	v9 =	vld.idx.msk [tilespmem:v7+s29+$0x0], $0xffff;
	v7 =	vadd.s32 v11, v10;
	p1 =	seq.s32 s6, s2;
	s2 =	simm.s32 $0x1  }
0x2a2: {  	v8 =	vor.u32 v8, v7;
	s2 =	simm.s32 @!p1 $0x0  }
0x2a3: {  	v7 =	vmov s1;
	s1 =	sadd.s32 $0x1, s1;
	s0 =	sadd.s32 s2, s0  }
0x2a4: {  	_ =	sdelay $0x3  }
0x2a5: {  	v10 =	vld.idx.msk [tilespmem:v7+s29+$0x0], $0xffff;
	_ =	sdelay $0x2  }
0x2a6: {  	v12 =	vshll.u32 v4, $0x7;
	v11 =	vand.u32 $0xFFFFFF80, v9  }
0x2a7: {  	v58 =	vand.u32 $0x7F, v9;
	v11 =	vadd.s32 v12, v11  }
0x2a8: {  	v60 =	vshll.u32 v7, $0x7;
	v9 =	vor.u32 v58, v11;
	v59 =	vand.u32 $0xFFFFFF80, v10  }
0x2a9: {  	v10 =	vand.u32 $0x7F, v10;
	v11 =	vadd.s32 v60, v59  }
0x2aa: {  	v3 =	vld.idx.msk [tilespmem:v3+s14+$0x0], $0xffff;
	v10 =	vor.u32 v10, v11  }
0x2ab: {  	v8 =	vld.idx.msk [tilespmem:v8+s31+$0x0], $0xffff  }
0x2ac: {  	v61 =	vld.idx.msk [tilespmem:v4+s14+$0x0], $0xffff  }
0x2ad: {  	(v2sf) =	vpush v5, $0x0;
	v62 =	vld.idx.msk [tilespmem:v9+s31+$0x0], $0xffff  }
0x2ae: {  	v63 =	vld.idx.msk [tilespmem:v7+s14+$0x0], $0xffff;
	(v2sf) =	vpush v6, $0x0  }
0x2af: {  	(v2sf) =	vpush v3, $0x0;
	v3 =	vld.idx.msk [tilespmem:v10+s31+$0x0], $0xffff  }
0x2b0: {  	(v2sf) =	vpush v8, $0x0  }
0x2b1: {  	(v2sf) =	vpush v61, $0x0  }
0x2b2: {  	(v2sf) =	vpush v62, $0x0  }
0x2b3: {  	(v2sf) =	vpush v63, $0x0  }
0x2b4: {  	(v2sf) =	vpush v3, $0x0;
	_ =	sdelay $0x3  }
0x2b5: {  	s1 =	spop (v2sf)  }
0x2b6: {  	s2 =	spop (v2sf)  }
0x2b7: {  	s6 =	spop (v2sf)  }
0x2b8: {  	s7 =	spop (v2sf)  }
0x2b9: {  	s8 =	spop (v2sf)  }
0x2ba: {  	p2 =	seq.s32 s2, s1;
	s1 =	simm.s32 $0x1;
	s9 =	spop (v2sf)  }
0x2bb: {  	s1 =	simm.s32 @!p2 $0x0;
	s10 =	spop (v2sf)  }
0x2bc: {  	s0 =	sadd.s32 s1, s0;
	s11 =	spop (v2sf)  }
0x2bd: {  	s1 =	simm.s32 $0x1;
	p4 =	seq.s32 s9, s8;
	s12 =	spop (v2sf)  }
0x2be: {  	p3 =	seq.s32 s7, s6;
	s1 =	simm.s32 @!p4 $0x0;
	s2 =	spop (v2sf)  }
0x2bf: {  	s6 =	spop (v2sf);
	p1 =	seq.s32 s2, s12;
	s2 =	simm.s32 $0x1  }
0x2c0: {  	p5 =	seq.s32 s11, s10;
	s2 =	simm.s32 @!p3 $0x0;
	s7 =	spop (v2sf)  }
0x2c1: {  	s0 =	sadd.s32 s2, s0;
	s2 =	simm.s32 $0x1;
	p0 =	seq.s32 s7, s6  }
0x2c2: {  	s2 =	simm.s32 @!p5 $0x0;
	s0 =	sadd.s32 s1, s0;
	s1 =	simm.s32 $0x1  }
0x2c3: {  	s1 =	simm.s32 @!p1 $0x0;
	s0 =	sadd.s32 s2, s0;
	s2 =	simm.s32 $0x1  }
0x2c4: {  	s0 =	sadd.s32 s1, s0;
	s2 =	simm.s32 @!p0 $0x0  }
0x2c5: {  	v3 =	vmov s30;
	s0 =	sadd.s32 s2, s0  }
0x2c6: {  	[tilespmem:$0x6A00] =	vst v3;
	v3 =	vmov s0  }
0x2c7: {  	s8 =	rddreg [dreg:$0x7];
	s9 =	simm.s32 $0x6A00;
	[tilespmem:$0x6A80] =	vst v3  }
0x2c8: {  	[hbm4b:s8+s3] =	stream.linear.scatter [tilespmem:s9], [sflag:$0x3], $0x80, $0x38;
	[tilespmem:$0x6B00] =	vst v63  }
0x2c9: {  	_ =	swait.ge [sflag:s13], $0x80  }
0x2ca: {  	[sflag:s13] =	ssyncset.done $0x0  }
0x2cb: {  	s11 =	simm.s32 $0x6A80;
	s10 =	rddreg [dreg:$0x8];
	[sflag:s13] =	ssyncadd.s32 $0xFFFFFF80  }
0x2cc: {  	[hbm4b:s10+s3] =	stream.linear.scatter [tilespmem:s11], [sflag:$0x3], $0x80, $0x38;
	[tilespmem:$0x6B00] =	vst v63  }
0x2cd: {  	_ =	swait.ge [sflag:s13], $0x80  }
0x2ce: {  	s12 =	rddreg [dreg:$0xa]  }
0x2cf: {  	s30 =	rddreg [dreg:$0x9];
	s1 =	sadd.s32 $0x1, s12  }
0x2d0: {  	p0 =	sne.s32 s1, s30  }
.Ltmp5:
0x2d1: {  	_ = 	snop;
	(pc) =	sbr.rel @p0 .LBB2_1-.Ltmp5, $3  }
0x2d2: {  	_ =	sdelay $0x1  }
0x2d3: {  	[sflag:s13] =	ssyncset.done $0x0  }
0x2d4: {  	[sflag:s13] =	ssyncadd.s32 $0xFFFFFF80  }
0x2d5: {  	_ =	sfence.sel $0x180000  }
0x2d6: {  	[bflag:$0x0] =	sbarrier.arrive $0xFFFF  }
0x2d7: {  	_ =	strace $0x90000047  }
0x2d8: {  	s0 =	stileid.u32;
	[bflag:$0x2] =	sbarrier.arrive $0xFFFF  }
0x2d9: {  	p0 =	sne.s32 s0, $0x0;
	s0 =	rddreg [dreg:$0x1]  }
0x2da: {  	s0 =	sadd.s32 @!p0 $0x100000, s0  }
0x2db: {  	[sflag:s0] =	ssyncadd.tile.s32 @!p0 $0x1;
	_ =	shalt  }
.Lfunc_end2:
_tile_overlayer_lowered:
.L_overlay_start_2:
0x2dc: {  	(tag) =	ssettag $0x2  }
0x2dd: {  	s0 =	rddreg [dreg:$0x0];
	s2 =	stileid.u32  }
0x2de: {  	s1 =	rddreg [dreg:$0x1];
	p0 =	sne.s32 s2, $0x0  }
0x2df: {  	s3 =	rddreg [dreg:$0x2];
	[bflag:$0x3] =	sbarrier.arrive $0xFFFF;
	s2 =	simm.s32 @!p0 $0x1C03  }
0x2e0: {  	[timem:s3], [sflag:s2] =	dma.local @!p0 [hbm:s0], s1  }
0x2e1: {  	s0 =	simm.s32 @!p0 $0x3  }
0x2e2: {  	_ =	swait.ge @!p0 [sflag:s0], s1  }
0x2e3: {  	s1 =	ssub.s32 @!p0 $0x0, s1;
	[sflag:s0] =	ssyncset.done @!p0 $0x0  }
0x2e4: {  	[sflag:s0] =	ssyncadd.s32 @!p0 s1  }
0x2e5: {  	[bflag:$0x3] =	sbarrier.arrive $0xFFFF  }
0x2e6: {  	_ =	shalt  }

</sc_bundles>
